<compile_context>
chip_gen: v7x
topology: tpu7x:2x2x1
jax: 0.10.2.dev20260603
libtpu: 0.0.44.dev20260713+nightly
codegen_flags: <defaults>
</compile_context>

<pallas_src>
import functools

import jax
import jax.numpy as jnp
from jax import lax
from jax.experimental import pallas as pl
from jax.experimental.pallas import tpu as pltpu
from jax.experimental.pallas import tpu_sc as plsc

B = 64
D = 1024
HID = 1024
OUT = 1024
E = 64
K = 2

_LANE = 16
_NSUB = 16
_ROWS = B // _NSUB


def _gate_body(x_ref, wg_ref, bg_ref, h_out_ref, g_ref, idx_ref):
    h = jnp.dot(x_ref[0], wg_ref[...],
                preferred_element_type=jnp.float32) + bg_ref[...]
    h_out_ref[...] = h
    m1 = jnp.max(h, axis=1, keepdims=True)
    e_all = jnp.exp(h - m1)
    is_max = h == m1
    cnt = jnp.sum(is_max.astype(jnp.float32), axis=1, keepdims=True)
    m2 = jnp.max(jnp.where(is_max, -jnp.inf, h), axis=1, keepdims=True)
    kth = jnp.where(cnt >= 2.0, m1, m2)
    mask = h >= kth
    gnum = jnp.where(mask, e_all, 0.0)
    g_ref[...] = gnum / jnp.sum(gnum, axis=1, keepdims=True)

    active = jnp.max(mask.astype(jnp.float32), axis=0, keepdims=True)
    lt = (lax.broadcasted_iota(jnp.int32, (E, E), 0)
          <= lax.broadcasted_iota(jnp.int32, (E, E), 1)).astype(jnp.float32)
    c_row = jnp.dot(active, lt)
    count = jnp.sum(active)
    iota_row = lax.broadcasted_iota(jnp.int32, (1, E), 1).astype(jnp.float32)
    last = jnp.max(jnp.where(active > 0.0, iota_row, -1.0))
    j_sub = lax.broadcasted_iota(jnp.int32, (E, E), 0).astype(jnp.float32)
    e_lane = lax.broadcasted_iota(jnp.int32, (E, E), 1).astype(jnp.float32)
    slot = (c_row - 1.0 == j_sub) & (active > 0.0)
    idx_col = jnp.sum(jnp.where(slot, e_lane, 0.0), axis=1, keepdims=True)
    j_col = lax.broadcasted_iota(jnp.int32, (E, 1), 0).astype(jnp.float32)
    idx_ref[...] = jnp.where(j_col < count, idx_col, last).astype(jnp.int32)


def _sc_probs_body(h_hbm, probs_hbm, h_v, p_v):
    cid = lax.axis_index("c")
    sid = lax.axis_index("s")

    @pl.when(cid == 0)
    def _softmax():
        base = sid * _ROWS
        pltpu.sync_copy(h_hbm.at[pl.ds(base, _ROWS)], h_v)
        for r in range(_ROWS):
            hk = [h_v[r, pl.ds(k * _LANE, _LANE)] for k in range(E // _LANE)]
            m1 = functools.reduce(jnp.maximum, [jnp.max(h) for h in hk])
            ek = [jnp.exp(h - m1) for h in hk]
            s_all = sum(jnp.sum(e) for e in ek)
            for k in range(E // _LANE):
                p_v[r, pl.ds(k * _LANE, _LANE)] = ek[k] / s_all
        pltpu.sync_copy(p_v, probs_hbm.at[0, pl.ds(base, _ROWS)])


def _expert_body(idx_ref, x_ref, g_ref, w1_ref, b1_ref, w2_ref, b2_ref,
                 wf_ref, bf_ref, out_ref, acc_ref, xb_ref):
    i = pl.program_id(0)
    e = idx_ref[i, 0]
    prev = idx_ref[jnp.maximum(i - 1, 0), 0]
    is_new = (i == 0) | (e != prev)

    @pl.when(i == 0)
    def _init():
        acc_ref[...] = jnp.zeros_like(acc_ref)
        xb_ref[...] = x_ref[0].astype(jnp.bfloat16)

    @pl.when(is_new)
    def _compute():
        w1 = w1_ref[0].astype(jnp.bfloat16)
        h1 = jnp.dot(xb_ref[...], w1, preferred_element_type=jnp.float32)
        h1 = jnp.maximum(h1 + b1_ref[pl.ds(e, 1), :], 0.0)
        w2 = w2_ref[0].astype(jnp.bfloat16)
        eo = (jnp.dot(h1.astype(jnp.bfloat16), w2,
                      preferred_element_type=jnp.float32)
              + b2_ref[pl.ds(e, 1), :])
        lane = lax.broadcasted_iota(jnp.int32, (B, E), 1)
        gate = jnp.sum(jnp.where(lane == e, g_ref[...], 0.0), axis=1,
                       keepdims=True)
        acc_ref[...] += gate * eo

    @pl.when(i == E - 1)
    def _final():
        out_ref[...] = (jnp.dot(acc_ref[...], wf_ref[...],
                                preferred_element_type=jnp.float32)
                        + bf_ref[...])


def kernel(x_list, Wg, bg, W1, b1, W2, b2, Wf, bf):
    H, G, idx = pl.pallas_call(
        _gate_body,
        out_shape=(
            jax.ShapeDtypeStruct((B, E), jnp.float32),
            jax.ShapeDtypeStruct((B, E), jnp.float32),
            jax.ShapeDtypeStruct((E, 1), jnp.int32),
        ),
    )(x_list, Wg, bg)

    sc_probs = pl.kernel(
        _sc_probs_body,
        out_type=jax.ShapeDtypeStruct((1, B, E), jnp.float32),
        mesh=plsc.VectorSubcoreMesh(core_axis_name="c", subcore_axis_name="s",
                                    num_cores=1),
        compiler_params=pltpu.CompilerParams(needs_layout_passes=False),
        scratch_types=[
            pltpu.VMEM((_ROWS, E), jnp.float32),
            pltpu.VMEM((_ROWS, E), jnp.float32),
        ],
    )
    probs = sc_probs(H)

    grid_spec = pltpu.PrefetchScalarGridSpec(
        num_scalar_prefetch=1,
        grid=(E,),
        in_specs=[
            pl.BlockSpec((1, B, D), lambda i, idx_ref: (0, 0, 0)),
            pl.BlockSpec((B, E), lambda i, idx_ref: (0, 0)),
            pl.BlockSpec((1, D, HID), lambda i, idx_ref: (idx_ref[i, 0], 0, 0)),
            pl.BlockSpec((E, HID), lambda i, idx_ref: (0, 0)),
            pl.BlockSpec((1, HID, HID),
                         lambda i, idx_ref: (idx_ref[i, 0], 0, 0)),
            pl.BlockSpec((E, HID), lambda i, idx_ref: (0, 0)),
            pl.BlockSpec((HID, OUT), lambda i, idx_ref: (0, 0)),
            pl.BlockSpec((OUT,), lambda i, idx_ref: (0,)),
        ],
        out_specs=pl.BlockSpec((B, OUT), lambda i, idx_ref: (0, 0)),
        scratch_shapes=[
            pltpu.VMEM((B, HID), jnp.float32),
            pltpu.VMEM((B, D), jnp.bfloat16),
        ],
    )
    out = pl.pallas_call(
        _expert_body,
        grid_spec=grid_spec,
        out_shape=jax.ShapeDtypeStruct((B, OUT), jnp.float32),
    )(idx, x_list, G, W1, b1, W2, b2, Wf, bf)

    return (out, probs)

# --- scband reference (transcript-rebuilt; emitter-appended) ---
"""Pipeline reference for scband-gated-mo-e-53833120088240 (READ-ONLY COPY).

The authoritative reference and input builder live on the scoring server;
editing this copy changes nothing except your own understanding.
"""

import jax, jax.numpy as jnp
import numpy as np

L = 1
B = 64
D = 1024
HID = 1024
OUT = 1024
E = 64
K = 2

def setup_inputs(seed: int = 0) -> dict:
    key = jax.random.key(seed)
    ks = jax.random.split(key, 10)
    return {
        "x_list": jax.random.normal(ks[0], (L, B, D), dtype=jnp.float32),
        "Wg": jax.random.normal(ks[1], (D, E), dtype=jnp.float32),
        "bg": jax.random.normal(ks[2], (E,), dtype=jnp.float32),
        "W1": jax.random.normal(ks[3], (E, D, HID), dtype=jnp.float32) * 0.02,
        "b1": jnp.zeros((E, HID), dtype=jnp.float32),
        "W2": jax.random.normal(ks[4], (E, HID, HID), dtype=jnp.float32) * 0.02,
        "b2": jnp.zeros((E, HID), dtype=jnp.float32),
        "Wf": jax.random.normal(ks[5], (HID, OUT), dtype=jnp.float32) * 0.02,
        "bf": jnp.zeros((OUT,), dtype=jnp.float32),
    }

def reference(x_list, Wg, bg, W1, b1, W2, b2, Wf, bf):
    # x_list: [L, B, D] -- iterating over leading axis mimics the Python list of tensors
    gates = []
    probs = []
    eouts = []
    n = x_list.shape[0]
    for i in range(n):
        x = x_list[i]                                  # [B, D]
        H = x @ Wg + bg                                # [B, E]
        probs.append(jax.nn.softmax(H, axis=-1))
        top_k_values = jax.lax.top_k(H, K)[0]          # [B, K]
        mask = H >= top_k_values[:, -1:]               # [B, E]
        H_top_k = jnp.where(mask, H, -jnp.inf)
        G = jax.nn.softmax(H_top_k, axis=1)            # dim=1 over experts
        gates.append(G)
        # dense all-expert FFN: fc1 -> relu -> fc2, stacked over experts
        h1 = jax.nn.relu(jnp.einsum('bd,edh->beh', x, W1) + b1)   # [B, E, HID]
        eo = jnp.einsum('beh,ehk->bek', h1, W2) + b2              # [B, E, HID]
        eouts.append(eo)
    combined = sum(jnp.sum(G[:, :, None] * e, axis=1) for G, e in zip(gates, eouts)) / n
    output = combined @ Wf + bf                        # [B, OUT]
    return (output, jnp.stack(probs))

if __name__ == "__main__":
    import jax
    _d = setup_inputs()
    print(jax.jit(kernel)(*tuple(_d.values())))

</pallas_src>

<mosaic_0001>
#map = affine_map<(d0, d1) -> (0, 0)>
#map1 = affine_map<(d0, d1) -> (0, 0, 0)>
module attributes {stable_mosaic.version = 14 : i64} {
  func.func @_sc_probs_body(%arg0: i32, %arg1: i32, %arg2: memref<64x64xf32, #tpu.memory_space<hbm>>, %arg3: memref<1x64x64xf32, #tpu.memory_space<hbm>>, %arg4: memref<4x64xf32, #tpu.memory_space<vmem>>, %arg5: memref<4x64xf32, #tpu.memory_space<vmem>>) attributes {dimension_semantics = [#tpu.dimension_semantics<core_parallel>, #tpu.dimension_semantics<subcore_parallel>], iteration_bounds = array<i64: 1, 16>, scalar_prefetch = 0 : i64, scratch_operands = 2 : i64, tpu.core_type = #tpu.core_type<sc_vector_subcore>, window_params = [{transform_indices = #map}, {transform_indices = #map1}]} {
    %eq3A = arith.constant 0 : i32
    %eq3A_0 = arith.cmpi eq, %arg0, %eq3A : i32
    %convert_element_type3A = arith.extui %eq3A_0 : i1 to i32
    %cond3A = arith.constant 0 : i32
    %cond3A_1 = arith.cmpi ne, %convert_element_type3A, %cond3A : i32
    scf.if %cond3A_1 {
      %mul3A = arith.constant 4 : i32
      %mul3A_2 = arith.muli %arg1, %mul3A : i32
      "tpu.region"() ({
        %run_scoped3A_362 = tpu.sem_alloc : memref<!tpu.dma_semaphore, #tpu.memory_space<semaphore_mem>>
        %dma_start3A = arith.constant 0 : i32
        %dma_start3A_363 = tpu.memref_slice %arg2[%mul3A_2, %dma_start3A] : memref<64x64xf32, #tpu.memory_space<hbm>> -> memref<4x64xf32, #tpu.memory_space<hbm>>
        %dma_start3A_364 = arith.constant 0 : i32
        %dma_start3A_365 = tpu.memref_slice %arg2[%mul3A_2, %dma_start3A_364] : memref<64x64xf32, #tpu.memory_space<hbm>> -> memref<4x64xf32, #tpu.memory_space<hbm>>
        tpu.enqueue_dma source(%dma_start3A_365 : memref<4x64xf32, #tpu.memory_space<hbm>>) target(%arg4 : memref<4x64xf32, #tpu.memory_space<vmem>>) target_semaphore(%run_scoped3A_362 : memref<!tpu.dma_semaphore, #tpu.memory_space<semaphore_mem>>)
        %dma_wait3A = arith.constant 0 : i32
        %dma_wait3A_366 = tpu.memref_slice %arg2[%mul3A_2, %dma_wait3A] : memref<64x64xf32, #tpu.memory_space<hbm>> -> memref<4x64xf32, #tpu.memory_space<hbm>>
        %dma_wait3A_367 = arith.constant 0 : i32
        %dma_wait3A_368 = tpu.memref_slice %arg2[%mul3A_2, %dma_wait3A_367] : memref<64x64xf32, #tpu.memory_space<hbm>> -> memref<4x64xf32, #tpu.memory_space<hbm>>
        tpu.wait_dma2 semaphore(%run_scoped3A_362 : memref<!tpu.dma_semaphore, #tpu.memory_space<semaphore_mem>>) src(%dma_wait3A_368 : memref<4x64xf32, #tpu.memory_space<hbm>>) dst(%arg4 : memref<4x64xf32, #tpu.memory_space<vmem>>)
        tpu.yield
      }) : () -> ()
      %get3A = arith.constant 0 : i32
      %get3A_3 = arith.index_cast %get3A : i32 to index
      %get3A_4 = arith.constant 0 : index
      %get3A_5 = tpu.vector_load %arg4[%get3A_3, %get3A_4] {strides = array<i32>} : memref<4x64xf32, #tpu.memory_space<vmem>>, vector<16xf32>,
      %get3A_6 = arith.constant 0 : i32
      %get3A_7 = arith.index_cast %get3A_6 : i32 to index
      %get3A_8 = arith.constant 16 : index
      %get3A_9 = tpu.vector_load %arg4[%get3A_7, %get3A_8] {strides = array<i32>} : memref<4x64xf32, #tpu.memory_space<vmem>>, vector<16xf32>,
      %get3A_10 = arith.constant 0 : i32
      %get3A_11 = arith.index_cast %get3A_10 : i32 to index
      %get3A_12 = arith.constant 32 : index
      %get3A_13 = tpu.vector_load %arg4[%get3A_11, %get3A_12] {strides = array<i32>} : memref<4x64xf32, #tpu.memory_space<vmem>>, vector<16xf32>,
      %get3A_14 = arith.constant 0 : i32
      %get3A_15 = arith.index_cast %get3A_14 : i32 to index
      %get3A_16 = arith.constant 48 : index
      %get3A_17 = tpu.vector_load %arg4[%get3A_15, %get3A_16] {strides = array<i32>} : memref<4x64xf32, #tpu.memory_space<vmem>>, vector<16xf32>,
      %reduce_max3A = arith.constant true
      %reduce_max3A_18 = vector.broadcast %reduce_max3A : i1 to vector<16xi1>
      %reduce_max3A_19 = tpu.scan <max>, %get3A_5 masked %reduce_max3A_18 : vector<16xf32>, vector<16xi1> -> vector<16xf32>
      %reduce_max3A_20 = vector.extract %reduce_max3A_19[15] : f32 from vector<16xf32>
      %reduce_max3A_21 = arith.constant true
      %reduce_max3A_22 = vector.broadcast %reduce_max3A_21 : i1 to vector<16xi1>
      %reduce_max3A_23 = tpu.scan <max>, %get3A_9 masked %reduce_max3A_22 : vector<16xf32>, vector<16xi1> -> vector<16xf32>
      %reduce_max3A_24 = vector.extract %reduce_max3A_23[15] : f32 from vector<16xf32>
      %reduce_max3A_25 = arith.constant true
      %reduce_max3A_26 = vector.broadcast %reduce_max3A_25 : i1 to vector<16xi1>
      %reduce_max3A_27 = tpu.scan <max>, %get3A_13 masked %reduce_max3A_26 : vector<16xf32>, vector<16xi1> -> vector<16xf32>
      %reduce_max3A_28 = vector.extract %reduce_max3A_27[15] : f32 from vector<16xf32>
      %reduce_max3A_29 = arith.constant true
      %reduce_max3A_30 = vector.broadcast %reduce_max3A_29 : i1 to vector<16xi1>
      %reduce_max3A_31 = tpu.scan <max>, %get3A_17 masked %reduce_max3A_30 : vector<16xf32>, vector<16xi1> -> vector<16xf32>
      %reduce_max3A_32 = vector.extract %reduce_max3A_31[15] : f32 from vector<16xf32>
      %max3A = arith.maximumf %reduce_max3A_20, %reduce_max3A_24 : f32
      %max3A_33 = arith.maximumf %max3A, %reduce_max3A_28 : f32
      %max3A_34 = arith.maximumf %max3A_33, %reduce_max3A_32 : f32
      %sub3A = vector.broadcast %max3A_34 : f32 to vector<16xf32>
      %sub3A_35 = arith.subf %get3A_5, %sub3A : vector<16xf32>
      %exp3A = math.exp %sub3A_35 : vector<16xf32>
      %sub3A_36 = vector.broadcast %max3A_34 : f32 to vector<16xf32>
      %sub3A_37 = arith.subf %get3A_9, %sub3A_36 : vector<16xf32>
      %exp3A_38 = math.exp %sub3A_37 : vector<16xf32>
      %sub3A_39 = vector.broadcast %max3A_34 : f32 to vector<16xf32>
      %sub3A_40 = arith.subf %get3A_13, %sub3A_39 : vector<16xf32>
      %exp3A_41 = math.exp %sub3A_40 : vector<16xf32>
      %sub3A_42 = vector.broadcast %max3A_34 : f32 to vector<16xf32>
      %sub3A_43 = arith.subf %get3A_17, %sub3A_42 : vector<16xf32>
      %exp3A_44 = math.exp %sub3A_43 : vector<16xf32>
      %reduce_sum3A = arith.constant true
      %reduce_sum3A_45 = vector.broadcast %reduce_sum3A : i1 to vector<16xi1>
      %reduce_sum3A_46 = tpu.scan <sum>, %exp3A masked %reduce_sum3A_45 : vector<16xf32>, vector<16xi1> -> vector<16xf32>
      %reduce_sum3A_47 = vector.extract %reduce_sum3A_46[15] : f32 from vector<16xf32>
      %add3A = arith.constant 0.000000e+00 : f32
      %add3A_48 = arith.addf %add3A, %reduce_sum3A_47 : f32
      %reduce_sum3A_49 = arith.constant true
      %reduce_sum3A_50 = vector.broadcast %reduce_sum3A_49 : i1 to vector<16xi1>
      %reduce_sum3A_51 = tpu.scan <sum>, %exp3A_38 masked %reduce_sum3A_50 : vector<16xf32>, vector<16xi1> -> vector<16xf32>
      %reduce_sum3A_52 = vector.extract %reduce_sum3A_51[15] : f32 from vector<16xf32>
      %add3A_53 = arith.addf %add3A_48, %reduce_sum3A_52 : f32
      %reduce_sum3A_54 = arith.constant true
      %reduce_sum3A_55 = vector.broadcast %reduce_sum3A_54 : i1 to vector<16xi1>
      %reduce_sum3A_56 = tpu.scan <sum>, %exp3A_41 masked %reduce_sum3A_55 : vector<16xf32>, vector<16xi1> -> vector<16xf32>
      %reduce_sum3A_57 = vector.extract %reduce_sum3A_56[15] : f32 from vector<16xf32>
      %add3A_58 = arith.addf %add3A_53, %reduce_sum3A_57 : f32
      %reduce_sum3A_59 = arith.constant true
      %reduce_sum3A_60 = vector.broadcast %reduce_sum3A_59 : i1 to vector<16xi1>
      %reduce_sum3A_61 = tpu.scan <sum>, %exp3A_44 masked %reduce_sum3A_60 : vector<16xf32>, vector<16xi1> -> vector<16xf32>
      %reduce_sum3A_62 = vector.extract %reduce_sum3A_61[15] : f32 from vector<16xf32>
      %add3A_63 = arith.addf %add3A_58, %reduce_sum3A_62 : f32
      %div3A = vector.broadcast %add3A_63 : f32 to vector<16xf32>
      %div3A_64 = arith.divf %exp3A, %div3A : vector<16xf32>
      %swap3A = arith.constant 0 : i32
      %swap3A_65 = arith.index_cast %swap3A : i32 to index
      %swap3A_66 = arith.constant 0 : index
      %swap3A_67 = tpu.vector_load %arg5[%swap3A_65, %swap3A_66] {strides = array<i32>} : memref<4x64xf32, #tpu.memory_space<vmem>>, vector<16xf32>,
      tpu.vector_store %arg5[%swap3A_65, %swap3A_66], %div3A_64 {strides = array<i32>} : memref<4x64xf32, #tpu.memory_space<vmem>>, vector<16xf32>,
      %div3A_68 = vector.broadcast %add3A_63 : f32 to vector<16xf32>
      %div3A_69 = arith.divf %exp3A_38, %div3A_68 : vector<16xf32>
      %swap3A_70 = arith.constant 0 : i32
      %swap3A_71 = arith.index_cast %swap3A_70 : i32 to index
      %swap3A_72 = arith.constant 16 : index
      %swap3A_73 = tpu.vector_load %arg5[%swap3A_71, %swap3A_72] {strides = array<i32>} : memref<4x64xf32, #tpu.memory_space<vmem>>, vector<16xf32>,
      tpu.vector_store %arg5[%swap3A_71, %swap3A_72], %div3A_69 {strides = array<i32>} : memref<4x64xf32, #tpu.memory_space<vmem>>, vector<16xf32>,
      %div3A_74 = vector.broadcast %add3A_63 : f32 to vector<16xf32>
      %div3A_75 = arith.divf %exp3A_41, %div3A_74 : vector<16xf32>
      %swap3A_76 = arith.constant 0 : i32
      %swap3A_77 = arith.index_cast %swap3A_76 : i32 to index
      %swap3A_78 = arith.constant 32 : index
      %swap3A_79 = tpu.vector_load %arg5[%swap3A_77, %swap3A_78] {strides = array<i32>} : memref<4x64xf32, #tpu.memory_space<vmem>>, vector<16xf32>,
      tpu.vector_store %arg5[%swap3A_77, %swap3A_78], %div3A_75 {strides = array<i32>} : memref<4x64xf32, #tpu.memory_space<vmem>>, vector<16xf32>,
      %div3A_80 = vector.broadcast %add3A_63 : f32 to vector<16xf32>
      %div3A_81 = arith.divf %exp3A_44, %div3A_80 : vector<16xf32>
      %swap3A_82 = arith.constant 0 : i32
      %swap3A_83 = arith.index_cast %swap3A_82 : i32 to index
      %swap3A_84 = arith.constant 48 : index
      %swap3A_85 = tpu.vector_load %arg5[%swap3A_83, %swap3A_84] {strides = array<i32>} : memref<4x64xf32, #tpu.memory_space<vmem>>, vector<16xf32>,
      tpu.vector_store %arg5[%swap3A_83, %swap3A_84], %div3A_81 {strides = array<i32>} : memref<4x64xf32, #tpu.memory_space<vmem>>, vector<16xf32>,
      %get3A_86 = arith.constant 1 : i32
      %get3A_87 = arith.index_cast %get3A_86 : i32 to index
      %get3A_88 = arith.constant 0 : index
      %get3A_89 = tpu.vector_load %arg4[%get3A_87, %get3A_88] {strides = array<i32>} : memref<4x64xf32, #tpu.memory_space<vmem>>, vector<16xf32>,
      %get3A_90 = arith.constant 1 : i32
      %get3A_91 = arith.index_cast %get3A_90 : i32 to index
      %get3A_92 = arith.constant 16 : index
      %get3A_93 = tpu.vector_load %arg4[%get3A_91, %get3A_92] {strides = array<i32>} : memref<4x64xf32, #tpu.memory_space<vmem>>, vector<16xf32>,
      %get3A_94 = arith.constant 1 : i32
      %get3A_95 = arith.index_cast %get3A_94 : i32 to index
      %get3A_96 = arith.constant 32 : index
      %get3A_97 = tpu.vector_load %arg4[%get3A_95, %get3A_96] {strides = array<i32>} : memref<4x64xf32, #tpu.memory_space<vmem>>, vector<16xf32>,
      %get3A_98 = arith.constant 1 : i32
      %get3A_99 = arith.index_cast %get3A_98 : i32 to index
      %get3A_100 = arith.constant 48 : index
      %get3A_101 = tpu.vector_load %arg4[%get3A_99, %get3A_100] {strides = array<i32>} : memref<4x64xf32, #tpu.memory_space<vmem>>, vector<16xf32>,
      %reduce_max3A_102 = arith.constant true
      %reduce_max3A_103 = vector.broadcast %reduce_max3A_102 : i1 to vector<16xi1>
      %reduce_max3A_104 = tpu.scan <max>, %get3A_89 masked %reduce_max3A_103 : vector<16xf32>, vector<16xi1> -> vector<16xf32>
      %reduce_max3A_105 = vector.extract %reduce_max3A_104[15] : f32 from vector<16xf32>
      %reduce_max3A_106 = arith.constant true
      %reduce_max3A_107 = vector.broadcast %reduce_max3A_106 : i1 to vector<16xi1>
      %reduce_max3A_108 = tpu.scan <max>, %get3A_93 masked %reduce_max3A_107 : vector<16xf32>, vector<16xi1> -> vector<16xf32>
      %reduce_max3A_109 = vector.extract %reduce_max3A_108[15] : f32 from vector<16xf32>
      %reduce_max3A_110 = arith.constant true
      %reduce_max3A_111 = vector.broadcast %reduce_max3A_110 : i1 to vector<16xi1>
      %reduce_max3A_112 = tpu.scan <max>, %get3A_97 masked %reduce_max3A_111 : vector<16xf32>, vector<16xi1> -> vector<16xf32>
      %reduce_max3A_113 = vector.extract %reduce_max3A_112[15] : f32 from vector<16xf32>
      %reduce_max3A_114 = arith.constant true
      %reduce_max3A_115 = vector.broadcast %reduce_max3A_114 : i1 to vector<16xi1>
      %reduce_max3A_116 = tpu.scan <max>, %get3A_101 masked %reduce_max3A_115 : vector<16xf32>, vector<16xi1> -> vector<16xf32>
      %reduce_max3A_117 = vector.extract %reduce_max3A_116[15] : f32 from vector<16xf32>
      %max3A_118 = arith.maximumf %reduce_max3A_105, %reduce_max3A_109 : f32
      %max3A_119 = arith.maximumf %max3A_118, %reduce_max3A_113 : f32
      %max3A_120 = arith.maximumf %max3A_119, %reduce_max3A_117 : f32
      %sub3A_121 = vector.broadcast %max3A_120 : f32 to vector<16xf32>
      %sub3A_122 = arith.subf %get3A_89, %sub3A_121 : vector<16xf32>
      %exp3A_123 = math.exp %sub3A_122 : vector<16xf32>
      %sub3A_124 = vector.broadcast %max3A_120 : f32 to vector<16xf32>
      %sub3A_125 = arith.subf %get3A_93, %sub3A_124 : vector<16xf32>
      %exp3A_126 = math.exp %sub3A_125 : vector<16xf32>
      %sub3A_127 = vector.broadcast %max3A_120 : f32 to vector<16xf32>
      %sub3A_128 = arith.subf %get3A_97, %sub3A_127 : vector<16xf32>
      %exp3A_129 = math.exp %sub3A_128 : vector<16xf32>
      %sub3A_130 = vector.broadcast %max3A_120 : f32 to vector<16xf32>
      %sub3A_131 = arith.subf %get3A_101, %sub3A_130 : vector<16xf32>
      %exp3A_132 = math.exp %sub3A_131 : vector<16xf32>
      %reduce_sum3A_133 = arith.constant true
      %reduce_sum3A_134 = vector.broadcast %reduce_sum3A_133 : i1 to vector<16xi1>
      %reduce_sum3A_135 = tpu.scan <sum>, %exp3A_123 masked %reduce_sum3A_134 : vector<16xf32>, vector<16xi1> -> vector<16xf32>
      %reduce_sum3A_136 = vector.extract %reduce_sum3A_135[15] : f32 from vector<16xf32>
      %add3A_137 = arith.constant 0.000000e+00 : f32
      %add3A_138 = arith.addf %add3A_137, %reduce_sum3A_136 : f32
      %reduce_sum3A_139 = arith.constant true
      %reduce_sum3A_140 = vector.broadcast %reduce_sum3A_139 : i1 to vector<16xi1>
      %reduce_sum3A_141 = tpu.scan <sum>, %exp3A_126 masked %reduce_sum3A_140 : vector<16xf32>, vector<16xi1> -> vector<16xf32>
      %reduce_sum3A_142 = vector.extract %reduce_sum3A_141[15] : f32 from vector<16xf32>
      %add3A_143 = arith.addf %add3A_138, %reduce_sum3A_142 : f32
      %reduce_sum3A_144 = arith.constant true
      %reduce_sum3A_145 = vector.broadcast %reduce_sum3A_144 : i1 to vector<16xi1>
      %reduce_sum3A_146 = tpu.scan <sum>, %exp3A_129 masked %reduce_sum3A_145 : vector<16xf32>, vector<16xi1> -> vector<16xf32>
      %reduce_sum3A_147 = vector.extract %reduce_sum3A_146[15] : f32 from vector<16xf32>
      %add3A_148 = arith.addf %add3A_143, %reduce_sum3A_147 : f32
      %reduce_sum3A_149 = arith.constant true
      %reduce_sum3A_150 = vector.broadcast %reduce_sum3A_149 : i1 to vector<16xi1>
      %reduce_sum3A_151 = tpu.scan <sum>, %exp3A_132 masked %reduce_sum3A_150 : vector<16xf32>, vector<16xi1> -> vector<16xf32>
      %reduce_sum3A_152 = vector.extract %reduce_sum3A_151[15] : f32 from vector<16xf32>
      %add3A_153 = arith.addf %add3A_148, %reduce_sum3A_152 : f32
      %div3A_154 = vector.broadcast %add3A_153 : f32 to vector<16xf32>
      %div3A_155 = arith.divf %exp3A_123, %div3A_154 : vector<16xf32>
      %swap3A_156 = arith.constant 1 : i32
      %swap3A_157 = arith.index_cast %swap3A_156 : i32 to index
      %swap3A_158 = arith.constant 0 : index
      %swap3A_159 = tpu.vector_load %arg5[%swap3A_157, %swap3A_158] {strides = array<i32>} : memref<4x64xf32, #tpu.memory_space<vmem>>, vector<16xf32>,
      tpu.vector_store %arg5[%swap3A_157, %swap3A_158], %div3A_155 {strides = array<i32>} : memref<4x64xf32, #tpu.memory_space<vmem>>, vector<16xf32>,
      %div3A_160 = vector.broadcast %add3A_153 : f32 to vector<16xf32>
      %div3A_161 = arith.divf %exp3A_126, %div3A_160 : vector<16xf32>
      %swap3A_162 = arith.constant 1 : i32
      %swap3A_163 = arith.index_cast %swap3A_162 : i32 to index
      %swap3A_164 = arith.constant 16 : index
      %swap3A_165 = tpu.vector_load %arg5[%swap3A_163, %swap3A_164] {strides = array<i32>} : memref<4x64xf32, #tpu.memory_space<vmem>>, vector<16xf32>,
      tpu.vector_store %arg5[%swap3A_163, %swap3A_164], %div3A_161 {strides = array<i32>} : memref<4x64xf32, #tpu.memory_space<vmem>>, vector<16xf32>,
      %div3A_166 = vector.broadcast %add3A_153 : f32 to vector<16xf32>
      %div3A_167 = arith.divf %exp3A_129, %div3A_166 : vector<16xf32>
      %swap3A_168 = arith.constant 1 : i32
      %swap3A_169 = arith.index_cast %swap3A_168 : i32 to index
      %swap3A_170 = arith.constant 32 : index
      %swap3A_171 = tpu.vector_load %arg5[%swap3A_169, %swap3A_170] {strides = array<i32>} : memref<4x64xf32, #tpu.memory_space<vmem>>, vector<16xf32>,
      tpu.vector_store %arg5[%swap3A_169, %swap3A_170], %div3A_167 {strides = array<i32>} : memref<4x64xf32, #tpu.memory_space<vmem>>, vector<16xf32>,
      %div3A_172 = vector.broadcast %add3A_153 : f32 to vector<16xf32>
      %div3A_173 = arith.divf %exp3A_132, %div3A_172 : vector<16xf32>
      %swap3A_174 = arith.constant 1 : i32
      %swap3A_175 = arith.index_cast %swap3A_174 : i32 to index
      %swap3A_176 = arith.constant 48 : index
      %swap3A_177 = tpu.vector_load %arg5[%swap3A_175, %swap3A_176] {strides = array<i32>} : memref<4x64xf32, #tpu.memory_space<vmem>>, vector<16xf32>,
      tpu.vector_store %arg5[%swap3A_175, %swap3A_176], %div3A_173 {strides = array<i32>} : memref<4x64xf32, #tpu.memory_space<vmem>>, vector<16xf32>,
      %get3A_178 = arith.constant 2 : i32
      %get3A_179 = arith.index_cast %get3A_178 : i32 to index
      %get3A_180 = arith.constant 0 : index
      %get3A_181 = tpu.vector_load %arg4[%get3A_179, %get3A_180] {strides = array<i32>} : memref<4x64xf32, #tpu.memory_space<vmem>>, vector<16xf32>,
      %get3A_182 = arith.constant 2 : i32
      %get3A_183 = arith.index_cast %get3A_182 : i32 to index
      %get3A_184 = arith.constant 16 : index
      %get3A_185 = tpu.vector_load %arg4[%get3A_183, %get3A_184] {strides = array<i32>} : memref<4x64xf32, #tpu.memory_space<vmem>>, vector<16xf32>,
      %get3A_186 = arith.constant 2 : i32
      %get3A_187 = arith.index_cast %get3A_186 : i32 to index
      %get3A_188 = arith.constant 32 : index
      %get3A_189 = tpu.vector_load %arg4[%get3A_187, %get3A_188] {strides = array<i32>} : memref<4x64xf32, #tpu.memory_space<vmem>>, vector<16xf32>,
      %get3A_190 = arith.constant 2 : i32
      %get3A_191 = arith.index_cast %get3A_190 : i32 to index
      %get3A_192 = arith.constant 48 : index
      %get3A_193 = tpu.vector_load %arg4[%get3A_191, %get3A_192] {strides = array<i32>} : memref<4x64xf32, #tpu.memory_space<vmem>>, vector<16xf32>,
      %reduce_max3A_194 = arith.constant true
      %reduce_max3A_195 = vector.broadcast %reduce_max3A_194 : i1 to vector<16xi1>
      %reduce_max3A_196 = tpu.scan <max>, %get3A_181 masked %reduce_max3A_195 : vector<16xf32>, vector<16xi1> -> vector<16xf32>
      %reduce_max3A_197 = vector.extract %reduce_max3A_196[15] : f32 from vector<16xf32>
      %reduce_max3A_198 = arith.constant true
      %reduce_max3A_199 = vector.broadcast %reduce_max3A_198 : i1 to vector<16xi1>
      %reduce_max3A_200 = tpu.scan <max>, %get3A_185 masked %reduce_max3A_199 : vector<16xf32>, vector<16xi1> -> vector<16xf32>
      %reduce_max3A_201 = vector.extract %reduce_max3A_200[15] : f32 from vector<16xf32>
      %reduce_max3A_202 = arith.constant true
      %reduce_max3A_203 = vector.broadcast %reduce_max3A_202 : i1 to vector<16xi1>
      %reduce_max3A_204 = tpu.scan <max>, %get3A_189 masked %reduce_max3A_203 : vector<16xf32>, vector<16xi1> -> vector<16xf32>
      %reduce_max3A_205 = vector.extract %reduce_max3A_204[15] : f32 from vector<16xf32>
      %reduce_max3A_206 = arith.constant true
      %reduce_max3A_207 = vector.broadcast %reduce_max3A_206 : i1 to vector<16xi1>
      %reduce_max3A_208 = tpu.scan <max>, %get3A_193 masked %reduce_max3A_207 : vector<16xf32>, vector<16xi1> -> vector<16xf32>
      %reduce_max3A_209 = vector.extract %reduce_max3A_208[15] : f32 from vector<16xf32>
      %max3A_210 = arith.maximumf %reduce_max3A_197, %reduce_max3A_201 : f32
      %max3A_211 = arith.maximumf %max3A_210, %reduce_max3A_205 : f32
      %max3A_212 = arith.maximumf %max3A_211, %reduce_max3A_209 : f32
      %sub3A_213 = vector.broadcast %max3A_212 : f32 to vector<16xf32>
      %sub3A_214 = arith.subf %get3A_181, %sub3A_213 : vector<16xf32>
      %exp3A_215 = math.exp %sub3A_214 : vector<16xf32>
      %sub3A_216 = vector.broadcast %max3A_212 : f32 to vector<16xf32>
      %sub3A_217 = arith.subf %get3A_185, %sub3A_216 : vector<16xf32>
      %exp3A_218 = math.exp %sub3A_217 : vector<16xf32>
      %sub3A_219 = vector.broadcast %max3A_212 : f32 to vector<16xf32>
      %sub3A_220 = arith.subf %get3A_189, %sub3A_219 : vector<16xf32>
      %exp3A_221 = math.exp %sub3A_220 : vector<16xf32>
      %sub3A_222 = vector.broadcast %max3A_212 : f32 to vector<16xf32>
      %sub3A_223 = arith.subf %get3A_193, %sub3A_222 : vector<16xf32>
      %exp3A_224 = math.exp %sub3A_223 : vector<16xf32>
      %reduce_sum3A_225 = arith.constant true
      %reduce_sum3A_226 = vector.broadcast %reduce_sum3A_225 : i1 to vector<16xi1>
      %reduce_sum3A_227 = tpu.scan <sum>, %exp3A_215 masked %reduce_sum3A_226 : vector<16xf32>, vector<16xi1> -> vector<16xf32>
      %reduce_sum3A_228 = vector.extract %reduce_sum3A_227[15] : f32 from vector<16xf32>
      %add3A_229 = arith.constant 0.000000e+00 : f32
      %add3A_230 = arith.addf %add3A_229, %reduce_sum3A_228 : f32
      %reduce_sum3A_231 = arith.constant true
      %reduce_sum3A_232 = vector.broadcast %reduce_sum3A_231 : i1 to vector<16xi1>
      %reduce_sum3A_233 = tpu.scan <sum>, %exp3A_218 masked %reduce_sum3A_232 : vector<16xf32>, vector<16xi1> -> vector<16xf32>
      %reduce_sum3A_234 = vector.extract %reduce_sum3A_233[15] : f32 from vector<16xf32>
      %add3A_235 = arith.addf %add3A_230, %reduce_sum3A_234 : f32
      %reduce_sum3A_236 = arith.constant true
      %reduce_sum3A_237 = vector.broadcast %reduce_sum3A_236 : i1 to vector<16xi1>
      %reduce_sum3A_238 = tpu.scan <sum>, %exp3A_221 masked %reduce_sum3A_237 : vector<16xf32>, vector<16xi1> -> vector<16xf32>
      %reduce_sum3A_239 = vector.extract %reduce_sum3A_238[15] : f32 from vector<16xf32>
      %add3A_240 = arith.addf %add3A_235, %reduce_sum3A_239 : f32
      %reduce_sum3A_241 = arith.constant true
      %reduce_sum3A_242 = vector.broadcast %reduce_sum3A_241 : i1 to vector<16xi1>
      %reduce_sum3A_243 = tpu.scan <sum>, %exp3A_224 masked %reduce_sum3A_242 : vector<16xf32>, vector<16xi1> -> vector<16xf32>
      %reduce_sum3A_244 = vector.extract %reduce_sum3A_243[15] : f32 from vector<16xf32>
      %add3A_245 = arith.addf %add3A_240, %reduce_sum3A_244 : f32
      %div3A_246 = vector.broadcast %add3A_245 : f32 to vector<16xf32>
      %div3A_247 = arith.divf %exp3A_215, %div3A_246 : vector<16xf32>
      %swap3A_248 = arith.constant 2 : i32
      %swap3A_249 = arith.index_cast %swap3A_248 : i32 to index
      %swap3A_250 = arith.constant 0 : index
      %swap3A_251 = tpu.vector_load %arg5[%swap3A_249, %swap3A_250] {strides = array<i32>} : memref<4x64xf32, #tpu.memory_space<vmem>>, vector<16xf32>,
      tpu.vector_store %arg5[%swap3A_249, %swap3A_250], %div3A_247 {strides = array<i32>} : memref<4x64xf32, #tpu.memory_space<vmem>>, vector<16xf32>,
      %div3A_252 = vector.broadcast %add3A_245 : f32 to vector<16xf32>
      %div3A_253 = arith.divf %exp3A_218, %div3A_252 : vector<16xf32>
      %swap3A_254 = arith.constant 2 : i32
      %swap3A_255 = arith.index_cast %swap3A_254 : i32 to index
      %swap3A_256 = arith.constant 16 : index
      %swap3A_257 = tpu.vector_load %arg5[%swap3A_255, %swap3A_256] {strides = array<i32>} : memref<4x64xf32, #tpu.memory_space<vmem>>, vector<16xf32>,
      tpu.vector_store %arg5[%swap3A_255, %swap3A_256], %div3A_253 {strides = array<i32>} : memref<4x64xf32, #tpu.memory_space<vmem>>, vector<16xf32>,
      %div3A_258 = vector.broadcast %add3A_245 : f32 to vector<16xf32>
      %div3A_259 = arith.divf %exp3A_221, %div3A_258 : vector<16xf32>
      %swap3A_260 = arith.constant 2 : i32
      %swap3A_261 = arith.index_cast %swap3A_260 : i32 to index
      %swap3A_262 = arith.constant 32 : index
      %swap3A_263 = tpu.vector_load %arg5[%swap3A_261, %swap3A_262] {strides = array<i32>} : memref<4x64xf32, #tpu.memory_space<vmem>>, vector<16xf32>,
      tpu.vector_store %arg5[%swap3A_261, %swap3A_262], %div3A_259 {strides = array<i32>} : memref<4x64xf32, #tpu.memory_space<vmem>>, vector<16xf32>,
      %div3A_264 = vector.broadcast %add3A_245 : f32 to vector<16xf32>
      %div3A_265 = arith.divf %exp3A_224, %div3A_264 : vector<16xf32>
      %swap3A_266 = arith.constant 2 : i32
      %swap3A_267 = arith.index_cast %swap3A_266 : i32 to index
      %swap3A_268 = arith.constant 48 : index
      %swap3A_269 = tpu.vector_load %arg5[%swap3A_267, %swap3A_268] {strides = array<i32>} : memref<4x64xf32, #tpu.memory_space<vmem>>, vector<16xf32>,
      tpu.vector_store %arg5[%swap3A_267, %swap3A_268], %div3A_265 {strides = array<i32>} : memref<4x64xf32, #tpu.memory_space<vmem>>, vector<16xf32>,
      %get3A_270 = arith.constant 3 : i32
      %get3A_271 = arith.index_cast %get3A_270 : i32 to index
      %get3A_272 = arith.constant 0 : index
      %get3A_273 = tpu.vector_load %arg4[%get3A_271, %get3A_272] {strides = array<i32>} : memref<4x64xf32, #tpu.memory_space<vmem>>, vector<16xf32>,
      %get3A_274 = arith.constant 3 : i32
      %get3A_275 = arith.index_cast %get3A_274 : i32 to index
      %get3A_276 = arith.constant 16 : index
      %get3A_277 = tpu.vector_load %arg4[%get3A_275, %get3A_276] {strides = array<i32>} : memref<4x64xf32, #tpu.memory_space<vmem>>, vector<16xf32>,
      %get3A_278 = arith.constant 3 : i32
      %get3A_279 = arith.index_cast %get3A_278 : i32 to index
      %get3A_280 = arith.constant 32 : index
      %get3A_281 = tpu.vector_load %arg4[%get3A_279, %get3A_280] {strides = array<i32>} : memref<4x64xf32, #tpu.memory_space<vmem>>, vector<16xf32>,
      %get3A_282 = arith.constant 3 : i32
      %get3A_283 = arith.index_cast %get3A_282 : i32 to index
      %get3A_284 = arith.constant 48 : index
      %get3A_285 = tpu.vector_load %arg4[%get3A_283, %get3A_284] {strides = array<i32>} : memref<4x64xf32, #tpu.memory_space<vmem>>, vector<16xf32>,
      %reduce_max3A_286 = arith.constant true
      %reduce_max3A_287 = vector.broadcast %reduce_max3A_286 : i1 to vector<16xi1>
      %reduce_max3A_288 = tpu.scan <max>, %get3A_273 masked %reduce_max3A_287 : vector<16xf32>, vector<16xi1> -> vector<16xf32>
      %reduce_max3A_289 = vector.extract %reduce_max3A_288[15] : f32 from vector<16xf32>
      %reduce_max3A_290 = arith.constant true
      %reduce_max3A_291 = vector.broadcast %reduce_max3A_290 : i1 to vector<16xi1>
      %reduce_max3A_292 = tpu.scan <max>, %get3A_277 masked %reduce_max3A_291 : vector<16xf32>, vector<16xi1> -> vector<16xf32>
      %reduce_max3A_293 = vector.extract %reduce_max3A_292[15] : f32 from vector<16xf32>
      %reduce_max3A_294 = arith.constant true
      %reduce_max3A_295 = vector.broadcast %reduce_max3A_294 : i1 to vector<16xi1>
      %reduce_max3A_296 = tpu.scan <max>, %get3A_281 masked %reduce_max3A_295 : vector<16xf32>, vector<16xi1> -> vector<16xf32>
      %reduce_max3A_297 = vector.extract %reduce_max3A_296[15] : f32 from vector<16xf32>
      %reduce_max3A_298 = arith.constant true
      %reduce_max3A_299 = vector.broadcast %reduce_max3A_298 : i1 to vector<16xi1>
      %reduce_max3A_300 = tpu.scan <max>, %get3A_285 masked %reduce_max3A_299 : vector<16xf32>, vector<16xi1> -> vector<16xf32>
      %reduce_max3A_301 = vector.extract %reduce_max3A_300[15] : f32 from vector<16xf32>
      %max3A_302 = arith.maximumf %reduce_max3A_289, %reduce_max3A_293 : f32
      %max3A_303 = arith.maximumf %max3A_302, %reduce_max3A_297 : f32
      %max3A_304 = arith.maximumf %max3A_303, %reduce_max3A_301 : f32
      %sub3A_305 = vector.broadcast %max3A_304 : f32 to vector<16xf32>
      %sub3A_306 = arith.subf %get3A_273, %sub3A_305 : vector<16xf32>
      %exp3A_307 = math.exp %sub3A_306 : vector<16xf32>
      %sub3A_308 = vector.broadcast %max3A_304 : f32 to vector<16xf32>
      %sub3A_309 = arith.subf %get3A_277, %sub3A_308 : vector<16xf32>
      %exp3A_310 = math.exp %sub3A_309 : vector<16xf32>
      %sub3A_311 = vector.broadcast %max3A_304 : f32 to vector<16xf32>
      %sub3A_312 = arith.subf %get3A_281, %sub3A_311 : vector<16xf32>
      %exp3A_313 = math.exp %sub3A_312 : vector<16xf32>
      %sub3A_314 = vector.broadcast %max3A_304 : f32 to vector<16xf32>
      %sub3A_315 = arith.subf %get3A_285, %sub3A_314 : vector<16xf32>
      %exp3A_316 = math.exp %sub3A_315 : vector<16xf32>
      %reduce_sum3A_317 = arith.constant true
      %reduce_sum3A_318 = vector.broadcast %reduce_sum3A_317 : i1 to vector<16xi1>
      %reduce_sum3A_319 = tpu.scan <sum>, %exp3A_307 masked %reduce_sum3A_318 : vector<16xf32>, vector<16xi1> -> vector<16xf32>
      %reduce_sum3A_320 = vector.extract %reduce_sum3A_319[15] : f32 from vector<16xf32>
      %add3A_321 = arith.constant 0.000000e+00 : f32
      %add3A_322 = arith.addf %add3A_321, %reduce_sum3A_320 : f32
      %reduce_sum3A_323 = arith.constant true
      %reduce_sum3A_324 = vector.broadcast %reduce_sum3A_323 : i1 to vector<16xi1>
      %reduce_sum3A_325 = tpu.scan <sum>, %exp3A_310 masked %reduce_sum3A_324 : vector<16xf32>, vector<16xi1> -> vector<16xf32>
      %reduce_sum3A_326 = vector.extract %reduce_sum3A_325[15] : f32 from vector<16xf32>
      %add3A_327 = arith.addf %add3A_322, %reduce_sum3A_326 : f32
      %reduce_sum3A_328 = arith.constant true
      %reduce_sum3A_329 = vector.broadcast %reduce_sum3A_328 : i1 to vector<16xi1>
      %reduce_sum3A_330 = tpu.scan <sum>, %exp3A_313 masked %reduce_sum3A_329 : vector<16xf32>, vector<16xi1> -> vector<16xf32>
      %reduce_sum3A_331 = vector.extract %reduce_sum3A_330[15] : f32 from vector<16xf32>
      %add3A_332 = arith.addf %add3A_327, %reduce_sum3A_331 : f32
      %reduce_sum3A_333 = arith.constant true
      %reduce_sum3A_334 = vector.broadcast %reduce_sum3A_333 : i1 to vector<16xi1>
      %reduce_sum3A_335 = tpu.scan <sum>, %exp3A_316 masked %reduce_sum3A_334 : vector<16xf32>, vector<16xi1> -> vector<16xf32>
      %reduce_sum3A_336 = vector.extract %reduce_sum3A_335[15] : f32 from vector<16xf32>
      %add3A_337 = arith.addf %add3A_332, %reduce_sum3A_336 : f32
      %div3A_338 = vector.broadcast %add3A_337 : f32 to vector<16xf32>
      %div3A_339 = arith.divf %exp3A_307, %div3A_338 : vector<16xf32>
      %swap3A_340 = arith.constant 3 : i32
      %swap3A_341 = arith.index_cast %swap3A_340 : i32 to index
      %swap3A_342 = arith.constant 0 : index
      %swap3A_343 = tpu.vector_load %arg5[%swap3A_341, %swap3A_342] {strides = array<i32>} : memref<4x64xf32, #tpu.memory_space<vmem>>, vector<16xf32>,
      tpu.vector_store %arg5[%swap3A_341, %swap3A_342], %div3A_339 {strides = array<i32>} : memref<4x64xf32, #tpu.memory_space<vmem>>, vector<16xf32>,
      %div3A_344 = vector.broadcast %add3A_337 : f32 to vector<16xf32>
      %div3A_345 = arith.divf %exp3A_310, %div3A_344 : vector<16xf32>
      %swap3A_346 = arith.constant 3 : i32
      %swap3A_347 = arith.index_cast %swap3A_346 : i32 to index
      %swap3A_348 = arith.constant 16 : index
      %swap3A_349 = tpu.vector_load %arg5[%swap3A_347, %swap3A_348] {strides = array<i32>} : memref<4x64xf32, #tpu.memory_space<vmem>>, vector<16xf32>,
      tpu.vector_store %arg5[%swap3A_347, %swap3A_348], %div3A_345 {strides = array<i32>} : memref<4x64xf32, #tpu.memory_space<vmem>>, vector<16xf32>,
      %div3A_350 = vector.broadcast %add3A_337 : f32 to vector<16xf32>
      %div3A_351 = arith.divf %exp3A_313, %div3A_350 : vector<16xf32>
      %swap3A_352 = arith.constant 3 : i32
      %swap3A_353 = arith.index_cast %swap3A_352 : i32 to index
      %swap3A_354 = arith.constant 32 : index
      %swap3A_355 = tpu.vector_load %arg5[%swap3A_353, %swap3A_354] {strides = array<i32>} : memref<4x64xf32, #tpu.memory_space<vmem>>, vector<16xf32>,
      tpu.vector_store %arg5[%swap3A_353, %swap3A_354], %div3A_351 {strides = array<i32>} : memref<4x64xf32, #tpu.memory_space<vmem>>, vector<16xf32>,
      %div3A_356 = vector.broadcast %add3A_337 : f32 to vector<16xf32>
      %div3A_357 = arith.divf %exp3A_316, %div3A_356 : vector<16xf32>
      %swap3A_358 = arith.constant 3 : i32
      %swap3A_359 = arith.index_cast %swap3A_358 : i32 to index
      %swap3A_360 = arith.constant 48 : index
      %swap3A_361 = tpu.vector_load %arg5[%swap3A_359, %swap3A_360] {strides = array<i32>} : memref<4x64xf32, #tpu.memory_space<vmem>>, vector<16xf32>,
      tpu.vector_store %arg5[%swap3A_359, %swap3A_360], %div3A_357 {strides = array<i32>} : memref<4x64xf32, #tpu.memory_space<vmem>>, vector<16xf32>,
      %run_scoped3A = arith.constant 0 : i32
      "tpu.region"() ({
        %run_scoped3A_362 = tpu.sem_alloc : memref<!tpu.dma_semaphore, #tpu.memory_space<semaphore_mem>>
        %dma_start3A = arith.constant 0 : i32
        %dma_start3A_363 = tpu.memref_slice %arg3[%run_scoped3A, %mul3A_2, %dma_start3A] : memref<1x64x64xf32, #tpu.memory_space<hbm>> -> memref<1x4x64xf32, #tpu.memory_space<hbm>>
        %dma_start3A_364 = tpu.memref_squeeze %dma_start3A_363 : memref<1x4x64xf32, #tpu.memory_space<hbm>> -> memref<4x64xf32, #tpu.memory_space<hbm>>
        %dma_start3A_365 = arith.constant 0 : i32
        %dma_start3A_366 = tpu.memref_slice %arg3[%run_scoped3A, %mul3A_2, %dma_start3A_365] : memref<1x64x64xf32, #tpu.memory_space<hbm>> -> memref<1x4x64xf32, #tpu.memory_space<hbm>>
        %dma_start3A_367 = tpu.memref_squeeze %dma_start3A_366 : memref<1x4x64xf32, #tpu.memory_space<hbm>> -> memref<4x64xf32, #tpu.memory_space<hbm>>
        tpu.enqueue_dma source(%arg5 : memref<4x64xf32, #tpu.memory_space<vmem>>) target(%dma_start3A_367 : memref<4x64xf32, #tpu.memory_space<hbm>>) target_semaphore(%run_scoped3A_362 : memref<!tpu.dma_semaphore, #tpu.memory_space<semaphore_mem>>)
        %dma_wait3A = arith.constant 0 : i32
        %dma_wait3A_368 = tpu.memref_slice %arg3[%run_scoped3A, %mul3A_2, %dma_wait3A] : memref<1x64x64xf32, #tpu.memory_space<hbm>> -> memref<1x4x64xf32, #tpu.memory_space<hbm>>
        %dma_wait3A_369 = tpu.memref_squeeze %dma_wait3A_368 : memref<1x4x64xf32, #tpu.memory_space<hbm>> -> memref<4x64xf32, #tpu.memory_space<hbm>>
        %dma_wait3A_370 = arith.constant 0 : i32
        %dma_wait3A_371 = tpu.memref_slice %arg3[%run_scoped3A, %mul3A_2, %dma_wait3A_370] : memref<1x64x64xf32, #tpu.memory_space<hbm>> -> memref<1x4x64xf32, #tpu.memory_space<hbm>>
        %dma_wait3A_372 = tpu.memref_squeeze %dma_wait3A_371 : memref<1x4x64xf32, #tpu.memory_space<hbm>> -> memref<4x64xf32, #tpu.memory_space<hbm>>
        tpu.wait_dma2 semaphore(%run_scoped3A_362 : memref<!tpu.dma_semaphore, #tpu.memory_space<semaphore_mem>>) src(%arg5 : memref<4x64xf32, #tpu.memory_space<vmem>>) dst(%dma_wait3A_372 : memref<4x64xf32, #tpu.memory_space<hbm>>)
        tpu.yield
      }) : () -> ()
    } else {
    }
    return
  }
}

module attributes {stable_mosaic.version = 14 : i64} {
  func.func @_expert_body(%arg0: i32, %arg1: memref<64x1xi32, #tpu.memory_space<smem>>, %arg2: memref<1x64x1024xf32, #tpu.memory_space<vmem>>, %arg3: memref<64x64xf32, #tpu.memory_space<vmem>>, %arg4: memref<1x1024x1024xf32, #tpu.memory_space<vmem>>, %arg5: memref<64x1024xf32, #tpu.memory_space<vmem>>, %arg6: memref<1x1024x1024xf32, #tpu.memory_space<vmem>>, %arg7: memref<64x1024xf32, #tpu.memory_space<vmem>>, %arg8: memref<1024x1024xf32, #tpu.memory_space<vmem>>, %arg9: memref<1024xf32, #tpu.memory_space<vmem>>, %arg10: memref<64x1024xf32, #tpu.memory_space<vmem>>, %arg11: memref<64x1024xf32, #tpu.memory_space<vmem>>, %arg12: memref<64x1024xbf16, #tpu.memory_space<vmem>>) attributes {dimension_semantics = [#tpu.dimension_semantics<arbitrary>], iteration_bounds = array<i64: 64>, scalar_prefetch = 1 : i64, scratch_operands = 2 : i64, tpu.core_type = #tpu.core_type<tc>, window_params = [{pipeline_mode = #tpu.pipeline_mode<synchronous>, transform_indices = @transform_0, window_bounds = array<i64: 1, 64, 1024>}, {pipeline_mode = #tpu.pipeline_mode<synchronous>, transform_indices = @transform_1, window_bounds = array<i64: 64, 64>}, {transform_indices = @transform_2, window_bounds = array<i64: 1, 1024, 1024>}, {pipeline_mode = #tpu.pipeline_mode<synchronous>, transform_indices = @transform_3, window_bounds = array<i64: 64, 1024>}, {transform_indices = @transform_4, window_bounds = array<i64: 1, 1024, 1024>}, {pipeline_mode = #tpu.pipeline_mode<synchronous>, transform_indices = @transform_5, window_bounds = array<i64: 64, 1024>}, {pipeline_mode = #tpu.pipeline_mode<synchronous>, transform_indices = @transform_6, window_bounds = array<i64: 1024, 1024>}, {pipeline_mode = #tpu.pipeline_mode<synchronous>, transform_indices = @transform_7, window_bounds = array<i64: 1024>}, {pipeline_mode = #tpu.pipeline_mode<synchronous>, transform_indices = @transform_8, window_bounds = array<i64: 64, 1024>}]} {
    %get3A = arith.index_cast %arg0 : i32 to index
    %get3A_0 = arith.constant 0 : index
    %get3A_1 = memref.load %arg1[%get3A, %get3A_0] : memref<64x1xi32, #tpu.memory_space<smem>>
    %sub3A = arith.constant 1 : i32
    %sub3A_2 = arith.subi %arg0, %sub3A : i32
    %max3A = arith.constant 0 : i32
    %max3A_3 = arith.maxsi %sub3A_2, %max3A : i32
    %get3A_4 = arith.index_cast %max3A_3 : i32 to index
    %get3A_5 = arith.constant 0 : index
    %get3A_6 = memref.load %arg1[%get3A_4, %get3A_5] : memref<64x1xi32, #tpu.memory_space<smem>>
    %eq3A = arith.constant 0 : i32
    %eq3A_7 = arith.cmpi eq, %arg0, %eq3A : i32
    %ne3A = arith.cmpi ne, %get3A_1, %get3A_6 : i32
    %or3A = arith.ori %eq3A_7, %ne3A : i1
    %eq3A_8 = arith.constant 0 : i32
    %eq3A_9 = arith.cmpi eq, %arg0, %eq3A_8 : i32
    %convert_element_type3A = arith.extui %eq3A_9 : i1 to i32
    %cond3A = arith.constant 0 : i32
    %cond3A_10 = arith.cmpi ne, %convert_element_type3A, %cond3A : i32
    scf.if %cond3A_10 {
      %broadcast_in_dim3A = arith.constant 0.000000e+00 : f32
      %broadcast_in_dim3A_19 = vector.broadcast %broadcast_in_dim3A : f32 to vector<64x1024xf32>
      %swap3A = arith.constant 0 : index
      %swap3A_20 = arith.constant 0 : index
      %swap3A_21 = vector.load %arg11[%swap3A, %swap3A_20] : memref<64x1024xf32, #tpu.memory_space<vmem>>, vector<64x1024xf32>
      tpu.vector_store %arg11[%swap3A, %swap3A_20], %broadcast_in_dim3A_19 {strides = array<i32>} : memref<64x1024xf32, #tpu.memory_space<vmem>>, vector<64x1024xf32>,
      %get3A_22 = arith.constant 0 : index
      %get3A_23 = arith.constant 0 : index
      %get3A_24 = arith.constant 0 : index
      %get3A_25 = vector.load %arg2[%get3A_22, %get3A_23, %get3A_24] : memref<1x64x1024xf32, #tpu.memory_space<vmem>>, vector<1x64x1024xf32>
      %get3A_26 = vector.shape_cast %get3A_25 : vector<1x64x1024xf32> to vector<64x1024xf32>
      %convert_element_type3A_27 = arith.truncf %get3A_26 : vector<64x1024xf32> to vector<64x1024xbf16>
      %swap3A_28 = arith.constant 0 : index
      %swap3A_29 = arith.constant 0 : index
      %swap3A_30 = vector.load %arg12[%swap3A_28, %swap3A_29] : memref<64x1024xbf16, #tpu.memory_space<vmem>>, vector<64x1024xbf16>
      tpu.vector_store %arg12[%swap3A_28, %swap3A_29], %convert_element_type3A_27 {strides = array<i32>} : memref<64x1024xbf16, #tpu.memory_space<vmem>>, vector<64x1024xbf16>,
    } else {
    }
    %convert_element_type3A_11 = arith.extui %or3A : i1 to i32
    %cond3A_12 = arith.constant 0 : i32
    %cond3A_13 = arith.cmpi ne, %convert_element_type3A_11, %cond3A_12 : i32
    scf.if %cond3A_13 {
      %get3A_19 = arith.constant 0 : index
      %get3A_20 = arith.constant 0 : index
      %get3A_21 = arith.constant 0 : index
      %get3A_22 = vector.load %arg4[%get3A_19, %get3A_20, %get3A_21] : memref<1x1024x1024xf32, #tpu.memory_space<vmem>>, vector<1x1024x1024xf32>
      %get3A_23 = vector.shape_cast %get3A_22 : vector<1x1024x1024xf32> to vector<1024x1024xf32>
      %convert_element_type3A_24 = arith.truncf %get3A_23 : vector<1024x1024xf32> to vector<1024x1024xbf16>
      %get3A_25 = arith.constant 0 : index
      %get3A_26 = arith.constant 0 : index
      %get3A_27 = vector.load %arg12[%get3A_25, %get3A_26] : memref<64x1024xbf16, #tpu.memory_space<vmem>>, vector<64x1024xbf16>
      %dot_general3A = arith.constant dense<0.000000e+00> : vector<64x1024xf32>
      %dot_general3A_28 = tpu.matmul %get3A_27, %convert_element_type3A_24, %dot_general3A {dimension_numbers = #tpu.dot_dimension_numbers<[1], [0], [0], [1], [0, 0, 1, 1], [], []>, transpose_lhs_hint = false} : vector<64x1024xbf16>, vector<1024x1024xbf16>, vector<64x1024xf32> -> vector<64x1024xf32>
      %get3A_29 = arith.index_cast %get3A_1 : i32 to index
      %get3A_30 = arith.constant 0 : index
      %get3A_31 = vector.load %arg5[%get3A_29, %get3A_30] : memref<64x1024xf32, #tpu.memory_space<vmem>>, vector<1x1024xf32>
      %add3A = vector.broadcast %get3A_31 : vector<1x1024xf32> to vector<64x1024xf32>
      %add3A_32 = arith.addf %dot_general3A_28, %add3A : vector<64x1024xf32>
      %max3A_33 = arith.constant 0.000000e+00 : f32
      %max3A_34 = vector.broadcast %max3A_33 : f32 to vector<64x1024xf32>
      %max3A_35 = arith.maximumf %add3A_32, %max3A_34 : vector<64x1024xf32>
      %get3A_36 = arith.constant 0 : index
      %get3A_37 = arith.constant 0 : index
      %get3A_38 = arith.constant 0 : index
      %get3A_39 = vector.load %arg6[%get3A_36, %get3A_37, %get3A_38] : memref<1x1024x1024xf32, #tpu.memory_space<vmem>>, vector<1x1024x1024xf32>
      %get3A_40 = vector.shape_cast %get3A_39 : vector<1x1024x1024xf32> to vector<1024x1024xf32>
      %convert_element_type3A_41 = arith.truncf %get3A_40 : vector<1024x1024xf32> to vector<1024x1024xbf16>
      %convert_element_type3A_42 = arith.truncf %max3A_35 : vector<64x1024xf32> to vector<64x1024xbf16>
      %dot_general3A_43 = arith.constant dense<0.000000e+00> : vector<64x1024xf32>
      %dot_general3A_44 = tpu.matmul %convert_element_type3A_42, %convert_element_type3A_41, %dot_general3A_43 {dimension_numbers = #tpu.dot_dimension_numbers<[1], [0], [0], [1], [0, 0, 1, 1], [], []>, transpose_lhs_hint = false} : vector<64x1024xbf16>, vector<1024x1024xbf16>, vector<64x1024xf32> -> vector<64x1024xf32>
      %get3A_45 = arith.index_cast %get3A_1 : i32 to index
      %get3A_46 = arith.constant 0 : index
      %get3A_47 = vector.load %arg7[%get3A_45, %get3A_46] : memref<64x1024xf32, #tpu.memory_space<vmem>>, vector<1x1024xf32>
      %add3A_48 = vector.broadcast %get3A_47 : vector<1x1024xf32> to vector<64x1024xf32>
      %add3A_49 = arith.addf %dot_general3A_44, %add3A_48 : vector<64x1024xf32>
      %iota3A = tpu.iota {dimensions = array<i32: 1>} : vector<64x64xi32>
      %eq3A_50 = vector.broadcast %get3A_1 : i32 to vector<64x64xi32>
      %eq3A_51 = arith.cmpi eq, %iota3A, %eq3A_50 : vector<64x64xi32>
      %get3A_52 = arith.constant 0 : index
      %get3A_53 = arith.constant 0 : index
      %get3A_54 = vector.load %arg3[%get3A_52, %get3A_53] : memref<64x64xf32, #tpu.memory_space<vmem>>, vector<64x64xf32>
      %jit3A = arith.constant 0.000000e+00 : f32
      %broadcast_in_dim3A = vector.broadcast %jit3A : f32 to vector<64x64xf32>
      %select_n3A = arith.select %eq3A_51, %get3A_54, %broadcast_in_dim3A : vector<64x64xi1>, vector<64x64xf32>
      %reduce_sum3A = arith.constant dense<0.000000e+00> : vector<64xf32>
      %reduce_sum3A_55 = vector.multi_reduction <add>, %select_n3A, %reduce_sum3A [1] : vector<64x64xf32> to vector<64xf32>
      %broadcast_in_dim3A_56 = vector.shape_cast %reduce_sum3A_55 : vector<64xf32> to vector<64x1xf32>
      %get3A_57 = arith.constant 0 : index
      %get3A_58 = arith.constant 0 : index
      %get3A_59 = vector.load %arg11[%get3A_57, %get3A_58] : memref<64x1024xf32, #tpu.memory_space<vmem>>, vector<64x1024xf32>
      %mul3A = vector.broadcast %broadcast_in_dim3A_56 : vector<64x1xf32> to vector<64x1024xf32>
      %mul3A_60 = arith.mulf %mul3A, %add3A_49 : vector<64x1024xf32>
      %add3A_61 = arith.addf %get3A_59, %mul3A_60 : vector<64x1024xf32>
      %swap3A = arith.constant 0 : index
      %swap3A_62 = arith.constant 0 : index
      %swap3A_63 = vector.load %arg11[%swap3A, %swap3A_62] : memref<64x1024xf32, #tpu.memory_space<vmem>>, vector<64x1024xf32>
      tpu.vector_store %arg11[%swap3A, %swap3A_62], %add3A_61 {strides = array<i32>} : memref<64x1024xf32, #tpu.memory_space<vmem>>, vector<64x1024xf32>,
    } else {
    }
    %eq3A_14 = arith.constant 63 : i32
    %eq3A_15 = arith.cmpi eq, %arg0, %eq3A_14 : i32
    %convert_element_type3A_16 = arith.extui %eq3A_15 : i1 to i32
    %cond3A_17 = arith.constant 0 : i32
    %cond3A_18 = arith.cmpi ne, %convert_element_type3A_16, %cond3A_17 : i32
    scf.if %cond3A_18 {
      %get3A_19 = arith.constant 0 : index
      %get3A_20 = arith.constant 0 : index
      %get3A_21 = vector.load %arg11[%get3A_19, %get3A_20] : memref<64x1024xf32, #tpu.memory_space<vmem>>, vector<64x1024xf32>
      %get3A_22 = arith.constant 0 : index
      %get3A_23 = arith.constant 0 : index
      %get3A_24 = vector.load %arg8[%get3A_22, %get3A_23] : memref<1024x1024xf32, #tpu.memory_space<vmem>>, vector<1024x1024xf32>
      %dot_general3A = arith.constant dense<0.000000e+00> : vector<64x1024xf32>
      %dot_general3A_25 = tpu.matmul %get3A_21, %get3A_24, %dot_general3A {dimension_numbers = #tpu.dot_dimension_numbers<[1], [0], [0], [1], [0, 0, 1, 1], [], []>, transpose_lhs_hint = false} : vector<64x1024xf32>, vector<1024x1024xf32>, vector<64x1024xf32> -> vector<64x1024xf32>
      %get3A_26 = arith.constant 0 : index
      %get3A_27 = vector.load %arg9[%get3A_26] : memref<1024xf32, #tpu.memory_space<vmem>>, vector<1024xf32>
      %broadcast_in_dim3A = vector.shape_cast %get3A_27 : vector<1024xf32> to vector<1x1024xf32>
      %add3A = vector.broadcast %broadcast_in_dim3A : vector<1x1024xf32> to vector<64x1024xf32>
      %add3A_28 = arith.addf %dot_general3A_25, %add3A : vector<64x1024xf32>
      %swap3A = arith.constant 0 : index
      %swap3A_29 = arith.constant 0 : index
      %swap3A_30 = vector.load %arg10[%swap3A, %swap3A_29] : memref<64x1024xf32, #tpu.memory_space<vmem>>, vector<64x1024xf32>
      tpu.vector_store %arg10[%swap3A, %swap3A_29], %add3A_28 {strides = array<i32>} : memref<64x1024xf32, #tpu.memory_space<vmem>>, vector<64x1024xf32>,
    } else {
    }
    return
  }
  func.func @transform_0(%arg0: i32, %arg1: memref<64x1xi32, #tpu.memory_space<smem>>) -> (i32, i32, i32) {
    %c0_i32 = arith.constant 0 : i32
    %c0_i32_0 = arith.constant 0 : i32
    %c0_i32_1 = arith.constant 0 : i32
    %c0_i32_2 = arith.constant 0 : i32
    return %c0_i32, %c0_i32_0, %c0_i32_1 : i32, i32, i32
  }
  func.func @transform_1(%arg0: i32, %arg1: memref<64x1xi32, #tpu.memory_space<smem>>) -> (i32, i32) {
    %c0_i32 = arith.constant 0 : i32
    %c0_i32_0 = arith.constant 0 : i32
    %c0_i32_1 = arith.constant 0 : i32
    return %c0_i32, %c0_i32_0 : i32, i32
  }
  func.func @transform_2(%arg0: i32, %arg1: memref<64x1xi32, #tpu.memory_space<smem>>) -> (i32, i32, i32) {
    %get3A = arith.index_cast %arg0 : i32 to index
    %get3A_0 = arith.constant 0 : index
    %get3A_1 = memref.load %arg1[%get3A, %get3A_0] : memref<64x1xi32, #tpu.memory_space<smem>>
    %c0_i32 = arith.constant 0 : i32
    %c0_i32_2 = arith.constant 0 : i32
    %c0_i32_3 = arith.constant 0 : i32
    return %get3A_1, %c0_i32, %c0_i32_2 : i32, i32, i32
  }
  func.func @transform_3(%arg0: i32, %arg1: memref<64x1xi32, #tpu.memory_space<smem>>) -> (i32, i32) {
    %c0_i32 = arith.constant 0 : i32
    %c0_i32_0 = arith.constant 0 : i32
    %c0_i32_1 = arith.constant 0 : i32
    return %c0_i32, %c0_i32_0 : i32, i32
  }
  func.func @transform_4(%arg0: i32, %arg1: memref<64x1xi32, #tpu.memory_space<smem>>) -> (i32, i32, i32) {
    %get3A = arith.index_cast %arg0 : i32 to index
    %get3A_0 = arith.constant 0 : index
    %get3A_1 = memref.load %arg1[%get3A, %get3A_0] : memref<64x1xi32, #tpu.memory_space<smem>>
    %c0_i32 = arith.constant 0 : i32
    %c0_i32_2 = arith.constant 0 : i32
    %c0_i32_3 = arith.constant 0 : i32
    return %get3A_1, %c0_i32, %c0_i32_2 : i32, i32, i32
  }
  func.func @transform_5(%arg0: i32, %arg1: memref<64x1xi32, #tpu.memory_space<smem>>) -> (i32, i32) {
    %c0_i32 = arith.constant 0 : i32
    %c0_i32_0 = arith.constant 0 : i32
    %c0_i32_1 = arith.constant 0 : i32
    return %c0_i32, %c0_i32_0 : i32, i32
  }
  func.func @transform_6(%arg0: i32, %arg1: memref<64x1xi32, #tpu.memory_space<smem>>) -> (i32, i32) {
    %c0_i32 = arith.constant 0 : i32
    %c0_i32_0 = arith.constant 0 : i32
    %c0_i32_1 = arith.constant 0 : i32
    return %c0_i32, %c0_i32_0 : i32, i32
  }
  func.func @transform_7(%arg0: i32, %arg1: memref<64x1xi32, #tpu.memory_space<smem>>) -> i32 {
    %c0_i32 = arith.constant 0 : i32
    %c0_i32_0 = arith.constant 0 : i32
    return %c0_i32 : i32
  }
  func.func @transform_8(%arg0: i32, %arg1: memref<64x1xi32, #tpu.memory_space<smem>>) -> (i32, i32) {
    %c0_i32 = arith.constant 0 : i32
    %c0_i32_0 = arith.constant 0 : i32
    %c0_i32_1 = arith.constant 0 : i32
    return %c0_i32, %c0_i32_0 : i32, i32
  }
}

module attributes {stable_mosaic.version = 14 : i64} {
  func.func @_gate_body(%arg0: memref<1x64x1024xf32, #tpu.memory_space<vmem>>, %arg1: memref<1024x64xf32, #tpu.memory_space<vmem>>, %arg2: memref<64xf32, #tpu.memory_space<vmem>>, %arg3: memref<64x64xf32, #tpu.memory_space<vmem>>, %arg4: memref<64x64xf32, #tpu.memory_space<vmem>>, %arg5: memref<64x1xi32, #tpu.memory_space<vmem>>) attributes {dimension_semantics = [], scalar_prefetch = 0 : i64, scratch_operands = 0 : i64, tpu.core_type = #tpu.core_type<tc>} {
    %get3A = arith.constant 0 : index
    %get3A_0 = arith.constant 0 : index
    %get3A_1 = arith.constant 0 : index
    %get3A_2 = vector.load %arg0[%get3A, %get3A_0, %get3A_1] : memref<1x64x1024xf32, #tpu.memory_space<vmem>>, vector<1x64x1024xf32>
    %get3A_3 = vector.shape_cast %get3A_2 : vector<1x64x1024xf32> to vector<64x1024xf32>
    %get3A_4 = arith.constant 0 : index
    %get3A_5 = arith.constant 0 : index
    %get3A_6 = vector.load %arg1[%get3A_4, %get3A_5] : memref<1024x64xf32, #tpu.memory_space<vmem>>, vector<1024x64xf32>
    %dot_general3A = arith.constant dense<0.000000e+00> : vector<64x64xf32>
    %dot_general3A_7 = tpu.matmul %get3A_3, %get3A_6, %dot_general3A {dimension_numbers = #tpu.dot_dimension_numbers<[1], [0], [0], [1], [0, 0, 1, 1], [], []>, transpose_lhs_hint = false} : vector<64x1024xf32>, vector<1024x64xf32>, vector<64x64xf32> -> vector<64x64xf32>
    %get3A_8 = arith.constant 0 : index
    %get3A_9 = vector.load %arg2[%get3A_8] : memref<64xf32, #tpu.memory_space<vmem>>, vector<64xf32>
    %broadcast_in_dim3A = vector.shape_cast %get3A_9 : vector<64xf32> to vector<1x64xf32>
    %add3A = vector.broadcast %broadcast_in_dim3A : vector<1x64xf32> to vector<64x64xf32>
    %add3A_10 = arith.addf %dot_general3A_7, %add3A : vector<64x64xf32>
    %swap3A = arith.constant 0 : index
    %swap3A_11 = arith.constant 0 : index
    %swap3A_12 = vector.load %arg3[%swap3A, %swap3A_11] : memref<64x64xf32, #tpu.memory_space<vmem>>, vector<64x64xf32>
    tpu.vector_store %arg3[%swap3A, %swap3A_11], %add3A_10 {strides = array<i32>} : memref<64x64xf32, #tpu.memory_space<vmem>>, vector<64x64xf32>,
    %reduce_max3A = arith.constant dense<0xFF800000> : vector<64xf32>
    %reduce_max3A_13 = vector.multi_reduction <maximumf>, %add3A_10, %reduce_max3A [1] : vector<64x64xf32> to vector<64xf32>
    %broadcast_in_dim3A_14 = vector.shape_cast %reduce_max3A_13 : vector<64xf32> to vector<64x1xf32>
    %sub3A = vector.broadcast %broadcast_in_dim3A_14 : vector<64x1xf32> to vector<64x64xf32>
    %sub3A_15 = arith.subf %add3A_10, %sub3A : vector<64x64xf32>
    %exp3A = math.exp %sub3A_15 : vector<64x64xf32>
    %eq3A = vector.broadcast %broadcast_in_dim3A_14 : vector<64x1xf32> to vector<64x64xf32>
    %eq3A_16 = arith.cmpf oeq, %add3A_10, %eq3A : vector<64x64xf32>
    %convert_element_type3A = arith.extui %eq3A_16 : vector<64x64xi1> to vector<64x64xi32>
    %convert_element_type3A_17 = arith.sitofp %convert_element_type3A : vector<64x64xi32> to vector<64x64xf32>
    %reduce_sum3A = arith.constant dense<0.000000e+00> : vector<64xf32>
    %reduce_sum3A_18 = vector.multi_reduction <add>, %convert_element_type3A_17, %reduce_sum3A [1] : vector<64x64xf32> to vector<64xf32>
    %broadcast_in_dim3A_19 = vector.shape_cast %reduce_sum3A_18 : vector<64xf32> to vector<64x1xf32>
    %jit3A = arith.constant 0xFF800000 : f32
    %broadcast_in_dim3A_20 = vector.broadcast %jit3A : f32 to vector<64x64xf32>
    %select_n3A = arith.select %eq3A_16, %broadcast_in_dim3A_20, %add3A_10 : vector<64x64xi1>, vector<64x64xf32>
    %reduce_max3A_21 = arith.constant dense<0xFF800000> : vector<64xf32>
    %reduce_max3A_22 = vector.multi_reduction <maximumf>, %select_n3A, %reduce_max3A_21 [1] : vector<64x64xf32> to vector<64xf32>
    %broadcast_in_dim3A_23 = vector.shape_cast %reduce_max3A_22 : vector<64xf32> to vector<64x1xf32>
    %ge3A = arith.constant 2.000000e+00 : f32
    %ge3A_24 = vector.broadcast %ge3A : f32 to vector<64x1xf32>
    %ge3A_25 = arith.cmpf oge, %broadcast_in_dim3A_19, %ge3A_24 : vector<64x1xf32>
    %select_n3A_26 = arith.select %ge3A_25, %broadcast_in_dim3A_14, %broadcast_in_dim3A_23 : vector<64x1xi1>, vector<64x1xf32>
    %ge3A_27 = vector.broadcast %select_n3A_26 : vector<64x1xf32> to vector<64x64xf32>
    %ge3A_28 = arith.cmpf oge, %add3A_10, %ge3A_27 : vector<64x64xf32>
    %jit3A_29 = arith.constant 0.000000e+00 : f32
    %broadcast_in_dim3A_30 = vector.broadcast %jit3A_29 : f32 to vector<64x64xf32>
    %select_n3A_31 = arith.select %ge3A_28, %exp3A, %broadcast_in_dim3A_30 : vector<64x64xi1>, vector<64x64xf32>
    %reduce_sum3A_32 = arith.constant dense<0.000000e+00> : vector<64xf32>
    %reduce_sum3A_33 = vector.multi_reduction <add>, %select_n3A_31, %reduce_sum3A_32 [1] : vector<64x64xf32> to vector<64xf32>
    %broadcast_in_dim3A_34 = vector.shape_cast %reduce_sum3A_33 : vector<64xf32> to vector<64x1xf32>
    %div3A = vector.broadcast %broadcast_in_dim3A_34 : vector<64x1xf32> to vector<64x64xf32>
    %div3A_35 = arith.divf %select_n3A_31, %div3A : vector<64x64xf32>
    %swap3A_36 = arith.constant 0 : index
    %swap3A_37 = arith.constant 0 : index
    %swap3A_38 = vector.load %arg4[%swap3A_36, %swap3A_37] : memref<64x64xf32, #tpu.memory_space<vmem>>, vector<64x64xf32>
    tpu.vector_store %arg4[%swap3A_36, %swap3A_37], %div3A_35 {strides = array<i32>} : memref<64x64xf32, #tpu.memory_space<vmem>>, vector<64x64xf32>,
    %convert_element_type3A_39 = arith.extui %ge3A_28 : vector<64x64xi1> to vector<64x64xi32>
    %convert_element_type3A_40 = arith.sitofp %convert_element_type3A_39 : vector<64x64xi32> to vector<64x64xf32>
    %reduce_max3A_41 = arith.constant dense<0xFF800000> : vector<64xf32>
    %reduce_max3A_42 = vector.multi_reduction <maximumf>, %convert_element_type3A_40, %reduce_max3A_41 [0] : vector<64x64xf32> to vector<64xf32>
    %broadcast_in_dim3A_43 = vector.shape_cast %reduce_max3A_42 : vector<64xf32> to vector<1x64xf32>
    %iota3A = tpu.iota {dimensions = array<i32: 0>} : vector<64x64xi32>
    %iota3A_44 = tpu.iota {dimensions = array<i32: 1>} : vector<64x64xi32>
    %le3A = arith.cmpi sle, %iota3A, %iota3A_44 : vector<64x64xi32>
    %convert_element_type3A_45 = arith.extui %le3A : vector<64x64xi1> to vector<64x64xi32>
    %convert_element_type3A_46 = arith.sitofp %convert_element_type3A_45 : vector<64x64xi32> to vector<64x64xf32>
    %dot_general3A_47 = arith.constant dense<0.000000e+00> : vector<1x64xf32>
    %dot_general3A_48 = tpu.matmul %broadcast_in_dim3A_43, %convert_element_type3A_46, %dot_general3A_47 {dimension_numbers = #tpu.dot_dimension_numbers<[1], [0], [0], [1], [0, 0, 1, 1], [], []>, transpose_lhs_hint = false} : vector<1x64xf32>, vector<64x64xf32>, vector<1x64xf32> -> vector<1x64xf32>
    %reduce_sum3A_49 = vector.shape_cast %broadcast_in_dim3A_43 : vector<1x64xf32> to vector<1x1x64xf32>
    %reduce_sum3A_50 = arith.constant dense<0.000000e+00> : vector<1xf32>
    %reduce_sum3A_51 = vector.multi_reduction <add>, %reduce_sum3A_49, %reduce_sum3A_50 [1, 2] : vector<1x1x64xf32> to vector<1xf32>
    %reduce_sum3A_52 = vector.shape_cast %reduce_sum3A_51 : vector<1xf32> to vector<1x1x1xf32>
    %reduce_sum3A_53 = vector.extract %reduce_sum3A_52[0, 0, 0] : f32 from vector<1x1x1xf32>
    %iota3A_54 = tpu.iota {dimensions = array<i32: 1>} : vector<1x64xi32>
    %convert_element_type3A_55 = arith.sitofp %iota3A_54 : vector<1x64xi32> to vector<1x64xf32>
    %gt3A = arith.constant 0.000000e+00 : f32
    %gt3A_56 = vector.broadcast %gt3A : f32 to vector<1x64xf32>
    %gt3A_57 = arith.cmpf ogt, %broadcast_in_dim3A_43, %gt3A_56 : vector<1x64xf32>
    %jit3A_58 = arith.constant -1.000000e+00 : f32
    %broadcast_in_dim3A_59 = vector.broadcast %jit3A_58 : f32 to vector<1x64xf32>
    %select_n3A_60 = arith.select %gt3A_57, %convert_element_type3A_55, %broadcast_in_dim3A_59 : vector<1x64xi1>, vector<1x64xf32>
    %reduce_max3A_61 = vector.shape_cast %select_n3A_60 : vector<1x64xf32> to vector<1x1x64xf32>
    %reduce_max3A_62 = arith.constant dense<0xFF800000> : vector<1xf32>
    %reduce_max3A_63 = vector.multi_reduction <maximumf>, %reduce_max3A_61, %reduce_max3A_62 [1, 2] : vector<1x1x64xf32> to vector<1xf32>
    %reduce_max3A_64 = vector.shape_cast %reduce_max3A_63 : vector<1xf32> to vector<1x1x1xf32>
    %reduce_max3A_65 = vector.extract %reduce_max3A_64[0, 0, 0] : f32 from vector<1x1x1xf32>
    %iota3A_66 = tpu.iota {dimensions = array<i32: 0>} : vector<64x64xi32>
    %convert_element_type3A_67 = arith.sitofp %iota3A_66 : vector<64x64xi32> to vector<64x64xf32>
    %iota3A_68 = tpu.iota {dimensions = array<i32: 1>} : vector<64x64xi32>
    %convert_element_type3A_69 = arith.sitofp %iota3A_68 : vector<64x64xi32> to vector<64x64xf32>
    %sub3A_70 = arith.constant 1.000000e+00 : f32
    %sub3A_71 = vector.broadcast %sub3A_70 : f32 to vector<1x64xf32>
    %sub3A_72 = arith.subf %dot_general3A_48, %sub3A_71 : vector<1x64xf32>
    %eq3A_73 = vector.broadcast %sub3A_72 : vector<1x64xf32> to vector<64x64xf32>
    %eq3A_74 = arith.cmpf oeq, %eq3A_73, %convert_element_type3A_67 : vector<64x64xf32>
    %gt3A_75 = arith.constant 0.000000e+00 : f32
    %gt3A_76 = vector.broadcast %gt3A_75 : f32 to vector<1x64xf32>
    %gt3A_77 = arith.cmpf ogt, %broadcast_in_dim3A_43, %gt3A_76 : vector<1x64xf32>
    %and3A = vector.broadcast %gt3A_77 : vector<1x64xi1> to vector<64x64xi1>
    %and3A_78 = arith.andi %eq3A_74, %and3A : vector<64x64xi1>
    %jit3A_79 = arith.constant 0.000000e+00 : f32
    %broadcast_in_dim3A_80 = vector.broadcast %jit3A_79 : f32 to vector<64x64xf32>
    %select_n3A_81 = arith.select %and3A_78, %convert_element_type3A_69, %broadcast_in_dim3A_80 : vector<64x64xi1>, vector<64x64xf32>
    %reduce_sum3A_82 = arith.constant dense<0.000000e+00> : vector<64xf32>
    %reduce_sum3A_83 = vector.multi_reduction <add>, %select_n3A_81, %reduce_sum3A_82 [1] : vector<64x64xf32> to vector<64xf32>
    %broadcast_in_dim3A_84 = vector.shape_cast %reduce_sum3A_83 : vector<64xf32> to vector<64x1xf32>
    %iota3A_85 = tpu.iota {dimensions = array<i32: 0>} : vector<64x1xi32>
    %convert_element_type3A_86 = arith.sitofp %iota3A_85 : vector<64x1xi32> to vector<64x1xf32>
    %lt3A = vector.broadcast %reduce_sum3A_53 : f32 to vector<64x1xf32>
    %lt3A_87 = arith.cmpf olt, %convert_element_type3A_86, %lt3A : vector<64x1xf32>
    %broadcast_in_dim3A_88 = vector.broadcast %reduce_max3A_65 : f32 to vector<64x1xf32>
    %select_n3A_89 = arith.select %lt3A_87, %broadcast_in_dim3A_84, %broadcast_in_dim3A_88 : vector<64x1xi1>, vector<64x1xf32>
    %convert_element_type3A_90 = arith.fptosi %select_n3A_89 : vector<64x1xf32> to vector<64x1xi32>
    %swap3A_91 = arith.constant 0 : index
    %swap3A_92 = arith.constant 0 : index
    %swap3A_93 = vector.load %arg5[%swap3A_91, %swap3A_92] : memref<64x1xi32, #tpu.memory_space<vmem>>, vector<64x1xi32>
    tpu.vector_store %arg5[%swap3A_91, %swap3A_92], %convert_element_type3A_90 {strides = array<i32>} : memref<64x1xi32, #tpu.memory_space<vmem>>, vector<64x1xi32>,
    return
  }
}

</mosaic_0001>

<sc_bundles>
// kernel: kernel.5.cloned.1.call-start
scs
__scs_entry_jumppad:
0x0: {  	(pc) =	sbr.rel $0x88, $3  }
0x1: {  	(tag) =	ssettag $0x0;
	lr =	simm.s32 $0x1  }
0x2: {  	[smem:$0x3F98] =	sst lr;
	_ =	strace $0xD0000000  }
0x3: {  	_ = 	snop  }
0x4: {  	_ = 	snop  }
0x5: {  	_ = 	snop  }
0x6: {  	_ = 	snop  }
0x7: {  	_ = 	snop  }
__scs_overlays_trampoline_lowered:
0x8: {  	[smem:$0x3FA7] =	sst s0  }
0x9: {  	[smem:$0x3FA8] =	sst s1  }
0xa: {  	[smem:$0x3FA9] =	sst s2  }
0xb: {  	[smem:$0x3FAA] =	sst s3  }
0xc: {  	[smem:$0x3FAB] =	sst s4  }
0xd: {  	[smem:$0x3FAC] =	sst s5  }
0xe: {  	[smem:$0x3FAD] =	sst s6  }
0xf: {  	[smem:$0x3FAE] =	sst s7  }
0x10: {  	[smem:$0x3FAF] =	sst s8  }
0x11: {  	[smem:$0x3FB0] =	sst s9;
	s0 =	simm.s32 @!p0 $0x0  }
0x12: {  	s1 =	sld [smem:$0x3F96];
	s0 =	simm.s32 @p0 $0x1  }
0x13: {  	[smem:$0x3FB1] =	sst s0;
	s0 =	simm.s32 @!p1 $0x0  }
0x14: {  	s2 =	sld [smem:$0x3F95];
	s0 =	simm.s32 @p1 $0x1  }
0x15: {  	[smem:$0x3FB2] =	sst s0;
	s0 =	simm.s32 @!p2 $0x0  }
0x16: {  	s3 =	sld [smem:$0x3FDB];
	s0 =	simm.s32 @p2 $0x1  }
0x17: {  	s4 =	simm.s32 $0x1BF5;
	[smem:$0x3FB4] =	sst s0  }
0x18: {  	s0 =	sld [smem:$0x3F97];
	_ =	swait.ge [sflag:s4], $0x0  }
0x19: {  	s7 =	sld [smem:$0x3F98]  }
0x1a: {  	s8 =	sadd.s32 $0xFFFFE003, lr  }
0x1b: {  	s9 =	sadd.s32 $0xFFFFFEF7, lr;
	s5 =	simm.s32 $0xFFFFFFFF;
	p2 =	slt.u32 s8, $0xFFFFF086  }
0x1c: {  	p1 =	slt.u32 s9, $0xF7A;
	s5 =	simm.s32 @!p2 $0x0  }
0x1d: {  	s5 =	simm.s32 @p1 $0x1;
	p0 =	seq.s32 s7, s2  }
0x1e: {  	s7 =	smul.u32 @!p0 $0xF7A, s2;
	p2 =	seq.s32 @!p0 s5, $0x0  }
0x1f: {  	s9 =	smul.u32 $0xF7A, s1;
	s8 =	simm.s32 @!p0 $0x1BF5;
	p2 =	por !p2, p0  }
0x20: {  	[sflag:s8] =	ssyncset.s32 @!p0 $0xFFFFF086;
	s6 =	sadd.s32 @!p0 s3, s7;
	s7 =	simm.s32 @!p0 $0x108  }
0x21: {  	s3 =	sadd.s32 s3, s9;
	s6 =	sadd.s32 @!p0 $0x88, s6;
	s7 =	simm.s32 @p2 $0x1082  }
0x22: {  	[simem:s7], [sflag:s8] =	dma.local @!p0 [hbm:s6], $0xF7A  }
0x23: {  	s9 =	sor.u32 $0xD0000000, s2;
	s6 =	simm.s32 $0x108;
	_ =	swait.ge @!p0 [sflag:s8], $0x0  }
0x24: {  	s3 =	sadd.s32 $0x88, s3;
	s6 =	simm.s32 @!p1 $0x1082;
	[sflag:s4] =	ssyncset.s32 $0xFFFFF086  }
0x25: {  	[simem:s6], [sflag:s4] =	dma.local [hbm:s3], $0xF7A  }
0x26: {  	[smem:$0x3F98] =	sst s1;
	(tag) =	ssettag s2;
	_ =	strace s9  }
0x27: {  	s1 =	sld [smem:$0x3FA8]  }
0x28: {  	s2 =	sld [smem:$0x3FA9]  }
0x29: {  	s4 =	sld [smem:$0x3FAB]  }
0x2a: {  	p0 =	seq.s32 s5, $0x0;
	s5 =	sld [smem:$0x3FAC]  }
0x2b: {  	s6 =	sld [smem:$0x3FAD]  }
0x2c: {  	s7 =	sld [smem:$0x3FAE]  }
0x2d: {  	s3 =	simm.s32 $0x108;
	s8 =	sld [smem:$0x3FAF]  }
0x2e: {  	s3 =	simm.s32 @!p0 $0x1082;
	s9 =	sld [smem:$0x3FB0]  }
0x2f: {  	lr =	sadd.s32 s0, s3;
	s0 =	sld [smem:$0x3FA7]  }
0x30: {  	s3 =	sld [smem:$0x3FAA]  }
0x31: {  	[smem:$0x3FB3] =	sst s10  }
0x32: {  	s10 =	sld [smem:$0x3FB1];
	_ =	sdelay $0x3  }
0x33: {  	p0 =	seq.s32 s10, $0x1;
	s10 =	sld [smem:$0x3FB3];
	_ =	sdelay $0x3  }
0x34: {  	[smem:$0x3FB3] =	sst s10  }
0x35: {  	s10 =	sld [smem:$0x3FB2];
	_ =	sdelay $0x3  }
0x36: {  	p1 =	seq.s32 s10, $0x1;
	s10 =	sld [smem:$0x3FB3];
	_ =	sdelay $0x3  }
0x37: {  	[smem:$0x3FB3] =	sst s10  }
0x38: {  	s10 =	sld [smem:$0x3FB4]  }
0x39: {  	_ = 	snop;
	(pc) =	sbr.ind lr, $3  }
0x3a: {  	_ = 	snop  }
0x3b: {  	_ = 	snop  }
0x3c: {  	p2 =	seq.s32 s10, $0x1;
	s10 =	sld [smem:$0x3FB3]  }
0x3d: {  	_ =	shalt  }
0x3e: {  	_ =	shalt  }
0x3f: {  	_ =	shalt  }
0x40: {  	_ =	shalt  }
0x41: {  	_ =	shalt  }
0x42: {  	_ =	shalt  }
0x43: {  	_ =	shalt  }
0x44: {  	_ =	shalt  }
0x45: {  	_ =	shalt  }
0x46: {  	_ =	shalt  }
0x47: {  	_ =	shalt  }
0x48: {  	_ =	shalt  }
0x49: {  	_ =	shalt  }
0x4a: {  	_ =	shalt  }
0x4b: {  	_ =	shalt  }
0x4c: {  	_ =	shalt  }
0x4d: {  	_ =	shalt  }
0x4e: {  	_ =	shalt  }
0x4f: {  	_ =	shalt  }
0x50: {  	_ =	shalt  }
0x51: {  	_ =	shalt  }
0x52: {  	_ =	shalt  }
0x53: {  	_ =	shalt  }
0x54: {  	_ =	shalt  }
0x55: {  	_ =	shalt  }
0x56: {  	_ =	shalt  }
0x57: {  	_ =	shalt  }
0x58: {  	_ =	shalt  }
0x59: {  	_ =	shalt  }
0x5a: {  	_ =	shalt  }
0x5b: {  	_ =	shalt  }
0x5c: {  	_ =	shalt  }
0x5d: {  	_ =	shalt  }
0x5e: {  	_ =	shalt  }
0x5f: {  	_ =	shalt  }
0x60: {  	_ =	shalt  }
0x61: {  	_ =	shalt  }
0x62: {  	_ =	shalt  }
0x63: {  	_ =	shalt  }
0x64: {  	_ =	shalt  }
0x65: {  	_ =	shalt  }
0x66: {  	_ =	shalt  }
0x67: {  	_ =	shalt  }
0x68: {  	_ =	shalt  }
0x69: {  	_ =	shalt  }
0x6a: {  	_ =	shalt  }
0x6b: {  	_ =	shalt  }
0x6c: {  	_ =	shalt  }
0x6d: {  	_ =	shalt  }
0x6e: {  	_ =	shalt  }
0x6f: {  	_ =	shalt  }
0x70: {  	_ =	shalt  }
0x71: {  	_ =	shalt  }
0x72: {  	_ =	shalt  }
0x73: {  	_ =	shalt  }
0x74: {  	_ =	shalt  }
0x75: {  	_ =	shalt  }
0x76: {  	_ =	shalt  }
0x77: {  	_ =	shalt  }
0x78: {  	_ =	shalt  }
0x79: {  	_ =	shalt  }
0x7a: {  	_ =	shalt  }
0x7b: {  	_ =	shalt  }
0x7c: {  	_ =	shalt  }
0x7d: {  	_ =	shalt  }
0x7e: {  	_ =	shalt  }
0x7f: {  	_ =	shalt  }
0x80: {  	_ =	shalt  }
0x81: {  	_ =	shalt  }
0x82: {  	_ =	shalt  }
0x83: {  	_ =	shalt  }
0x84: {  	_ =	shalt  }
0x85: {  	_ =	shalt  }
0x86: {  	_ =	shalt  }
0x87: {  	_ =	shalt  }
.Lfunc_end0:
.L_simem_size_0:
called_computation_lowered:
.L_overlay_start_0:
0x88: {  	s0 =	sld [smem:$0x3FD9]  }
0x89: {  	s1 =	sld [smem:$0x3FFE];
	_ =	sdelay $0x3  }
0x8a: {  	s0 =	sadd.s32 s1, s0  }
0x8b: {  	[smem:$0x3FBF] =	sst s0  }
0x8c: {  	_ = 	snop  }
0x8d: {  	s0 =	sld [smem:$0x3FD0];
	_ =	sdelay $0x2  }
0x8e: {  	s13 =	simm.s32 $0xA;
	s2 =	simm.s32 $0x10  }
0x8f: {  	[smem:s2], [sflag:s13] =	dma.local [hbm:s0], $0x1  }
0x90: {  	_ =	swait.eq [sflag:s13], $0x1  }
0x91: {  	[sflag:s13] =	ssyncset.done $0x0  }
0x92: {  	[sflag:s13] =	ssyncadd.s32 $0xFFFFFFFF  }
0x93: {  	s14 =	sld [smem:$0x11];
	(tm) =	ssettm $0x1  }
0x94: {  	s15 =	sld [smem:$0x3FFB];
	_ =	sdelay $0x3  }
0x95: {  	_ =	strace s15  }
0x96: {  	s1 =	sld [smem:$0x3FFC];
	_ =	sdelay $0x3  }
0x97: {  	_ =	strace s1  }
0x98: {  	s1 =	sld [smem:$0x3FFD];
	_ =	sdelay $0x3  }
0x99: {  	_ =	strace s1  }
0x9a: {  	_ =	strace $0x8FFFFFFF  }
0x9b: {  	s16 =	sld [smem:$0x3FDB];
	_ =	sdelay $0x1  }
0x9c: {  	s17 =	simm.s32 $_scs_section_size  }
0x9d: {  	s3 =	simm.s32 $_size__tile_overlayer_lowered;
	s4 =	simm.s32 $_tile_overlayer_lowered  }
0x9e: {  	s20 =	simm.s32 $0x1BFF;
	s19 =	sshll.u32 s4, $0x1;
	s1 =	sadd.s32 s17, s16  }
0x9f: {  	s5 =	simm.s32 $0x0;
	s18 =	sshll.u32 s3, $0x1;
	s3 =	sadd.s32 s19, s1  }
0xa0: {  	[timem:s5], [sflag:s20] =	dma.local [hbm:s3], s18  }
0xa1: {  	_ =	swait.ge [sflag:s20], s18  }
0xa2: {  	s2 =	ssub.s32 $0x0, s18;
	[sflag:s20] =	ssyncset.done $0x0  }
0xa3: {  	[sflag:s20] =	ssyncadd.s32 s2;
	_ =	sdelay $0x1  }
0xa4: {  	s21 =	simm.s32 $0x1B8B  }
0xa5: {  	_ =	swait.ge [sflag:s21], $0x1  }
0xa6: {  	[sflag:s21] =	ssyncset.done $0x0  }
0xa7: {  	s23 =	simm.s32 $0x1B8E;
	s22 =	sld [smem:$0x3FFE];
	[sflag:s21] =	ssyncadd.s32 $0xFFFFFFFF  }
0xa8: {  	s24 =	simm.s32 $execute0_lowered;
	[smem:$0x3FD2] =	sst s23  }
0xa9: {  	s3 =	sshll.u32 s24, $0x1;
	_ =	strace $0x80000046;
	[dreg:$0x1] =	wrdreg $0xFFFFFFFF  }
0xaa: {  	s25 =	simm.s32 $_size_execute0_lowered;
	s1 =	sadd.s32 s1, s3;
	[dreg:$0x0] =	wrdreg $0x0  }
0xab: {  	s3 =	sshll.u32 s25, $0x1;
	[dreg:$0x2] =	wrdreg s1  }
0xac: {  	[dreg:$0x3] =	wrdreg s3  }
0xad: {  	[dreg:$0x4] =	wrdreg $0xC0  }
0xae: {  	_ =	task [dreg:s5], $0x5FFFF  }
0xaf: {  	[dreg:$0x1] =	wrdreg $0xFFFFFFFF  }
0xb0: {  	[dreg:$0x0] =	wrdreg $0x60  }
0xb1: {  	[dreg:$0x2] =	wrdreg s22  }
0xb2: {  	[dreg:$0x3] =	wrdreg s14  }
0xb3: {  	[dreg:$0x4] =	wrdreg $0x9  }
0xb4: {  	_ =	task.clear_ibuf [dreg:s5], $0x5FFFF;
	_ =	strace $0x90000046  }
0xb5: {  	s26 =	simm.s32 $0x9;
	_ =	strace $0x80000048  }
0xb6: {  	_ =	swait.ge [sflag:s26], $0x1  }
0xb7: {  	[sflag:s26] =	ssyncadd.s32 $0xFFFFFFFF  }
0xb8: {  	_ =	strace $0x90000048  }
0xb9: {  	_ =	sfence  }
0xba: {  	s28 =	sld [smem:$0x0];
	_ =	sdelay $0x1  }
0xbb: {  	s29 =	srdreg.scid  }
0xbc: {  	s30 =	sshll.u32 s29, $0xD;
	s31 =	sshrl.u32 s29, $0x2  }
0xbd: {  	s2 =	sand.u32 $0x4000, s30;
	s1 =	sand.u32 $0x1, s29;
	s0 =	sadd.s32 s31, s28  }
0xbe: {  	s1 =	sor.u32 s2, s1;
	s0 =	sshll.u32 s0, $0x11  }
0xbf: {  	s0 =	sor.u32 s0, s1  }
0xc0: {  	s0 =	sadd.s32 $0x8F2B, s0  }
0xc1: {  	[sflag:s0] =	ssyncadd.remote.s32 $0x1  }
0xc2: {  	_ =	sfence.sel $0xFFFF  }
0xc3: {  	[dreg:$0x0] =	wrdreg $0xFFFFFFFF;
	(pc) =	sbr.abs _section_cstart, $3  }
0xc4: {  	[dreg:$0x1] =	wrdreg $0xFFFFFFFF  }
0xc5: {  	_ =	task.clear_ibuf [dreg:s5], $0x2FFFF;
	_ =	strace $0x9FFFFFFF  }
0xc6: {  	(tm) =	ssettm $0x7FFFFFFF  }
0xc7: {  	_ =	shalt  }
tec
execute0_lowered:
.L_overlay_start_1:
0x0: {  	(tag) =	ssettag $0x1  }
0x1: {  	s5 =	rddreg [dreg:$0x0];
	s1 =	stileid.u32  }
0x2: {  	s2 =	rddreg [dreg:$0x1];
	s3 =	simm.s32 $0x0;
	s4 =	sshll.u32 s1, $0x6  }
0x3: {  	[smem:$0x7FF] =	sst s3;
	s5 =	sadd.s32 s4, s5  }
0x4: {  	s0 =	rddreg [dreg:$0x2];
	_ =	strace $0x80000047;
	s5 =	sadd.s32 $0x1600, s5  }
0x5: {  	[tilespmem:s3], [sflag:$0x1] =	stream.linear.gather [hbm4b:s5+s3], $0x200, $0x38;
	[tilespmem:$0x400] =	vst v63  }
0x6: {  	s5 =	simm.s32 $0x1  }
0x7: {  	_ =	swait.ge [sflag:s5], $0x200  }
0x8: {  	[sflag:s5] =	ssyncset.done $0x0  }
0x9: {  	[sflag:s5] =	ssyncadd.s32 $0xFFFFFE00  }
0xa: {  	v0 =	vld [tilespmem:$0x0]  }
0xb: {  	v1 =	vld [tilespmem:$0x10]  }
0xc: {  	v2 =	vld [tilespmem:$0x20]  }
0xd: {  	v3 =	vld [tilespmem:$0x30];
	_ =	sdelay $0x1  }
0xe: {  	(xrf0) =	vmax.scan.msk.f32 $0xffff, v0  }
0xf: {  	(xrf0) =	vmax.scan.msk.f32 $0xffff, v1  }
0x10: {  	(xrf0) =	vmax.scan.msk.f32 $0xffff, v2  }
0x11: {  	(xrf0) =	vmax.scan.msk.f32 $0xffff, v3;
	_ =	sdelay $0x2  }
0x12: {  	v4, _, _ =	vpop (xrf0)  }
0x13: {  	(v2sf) =	vpush v4, $0xF;
	v37, _, _ =	vpop (xrf0)  }
0x14: {  	(v2sf) =	vpush v37, $0xF;
	v38, _, _ =	vpop (xrf0)  }
0x15: {  	(v2sf) =	vpush v38, $0xF;
	v39, _, _ =	vpop (xrf0)  }
0x16: {  	(v2sf) =	vpush v39, $0xF;
	_ =	sdelay $0xb  }
0x17: {  	s6 =	spop (v2sf)  }
0x18: {  	s7 =	spop (v2sf)  }
0x19: {  	s8 =	spop (v2sf);
	s6 =	smax.f32 s6, s7  }
0x1a: {  	s24 =	spop (v2sf);
	s6 =	smax.f32 s6, s8  }
0x1b: {  	s6 =	smax.f32 s6, s24  }
0x1c: {  	v40 =	vmov s6  }
0x1d: {  	v0 =	vsub.f32 v0, v40  }
0x1e: {  	v1 =	vsub.f32 v1, v40  }
0x1f: {  	v2 =	vsub.f32 v2, v40;
	v0 =	vmul.f32 $1.442695020e+00, v0  }
0x20: {  	v3 =	vsub.f32 v3, v40;
	v1 =	vmul.f32 $1.442695020e+00, v1  }
0x21: {  	v41 =	vmul.f32 $1.442695020e+00, v2;
	(erf) = vpow2.f32 v0  }
0x22: {  	v42 =	vmul.f32 $1.442695020e+00, v3;
	(erf) = vpow2.f32 v1  }
0x23: {  	(erf) = vpow2.f32 v41  }
0x24: {  	(erf) = vpow2.f32 v42;
	_ =	sdelay $0x5  }
0x25: {  	v2 =	vpop (erf)  }
0x26: {  	v3 =	vpop (erf);
	(xrf2) =	vadd.scan.msk.f32 $0xffff, v2  }
0x27: {  	v0 =	vpop (erf);
	(xrf2) =	vadd.scan.msk.f32 $0xffff, v3  }
0x28: {  	v1 =	vpop (erf);
	(xrf2) =	vadd.scan.msk.f32 $0xffff, v0  }
0x29: {  	v43 =	vld [tilespmem:$0x80];
	(xrf2) =	vadd.scan.msk.f32 $0xffff, v1  }
0x2a: {  	v5 =	vld [tilespmem:$0x90]  }
0x2b: {  	v6 =	vld [tilespmem:$0xA0]  }
0x2c: {  	v7 =	vld [tilespmem:$0xB0];
	_ =	sdelay $0x1  }
0x2d: {  	(xrf0) =	vmax.scan.msk.f32 $0xffff, v43  }
0x2e: {  	(xrf0) =	vmax.scan.msk.f32 $0xffff, v5  }
0x2f: {  	(xrf0) =	vmax.scan.msk.f32 $0xffff, v6;
	v8, _, _ =	vpop (xrf2)  }
0x30: {  	(xrf0) =	vmax.scan.msk.f32 $0xffff, v7;
	(v2sf) =	vpush v8, $0xF;
	v44, _, _ =	vpop (xrf2)  }
0x31: {  	(v2sf) =	vpush v44, $0xF;
	v45, _, _ =	vpop (xrf2)  }
0x32: {  	(v2sf) =	vpush v45, $0xF;
	v46, _, _ =	vpop (xrf2)  }
0x33: {  	v47, _, _ =	vpop (xrf0);
	(v2sf) =	vpush v46, $0xF  }
0x34: {  	v48, _, _ =	vpop (xrf0);
	(v2sf) =	vpush v47, $0xF  }
0x35: {  	v49, _, _ =	vpop (xrf0);
	(v2sf) =	vpush v48, $0xF  }
0x36: {  	v50, _, _ =	vpop (xrf0);
	(v2sf) =	vpush v49, $0xF  }
0x37: {  	(v2sf) =	vpush v50, $0xF;
	_ =	sdelay $0x7  }
0x38: {  	s25 =	spop (v2sf)  }
0x39: {  	s26 =	spop (v2sf)  }
0x3a: {  	s28 =	spop (v2sf)  }
0x3b: {  	s6 =	sadd.f32 $0.0e+00, s25;
	s9 =	spop (v2sf)  }
0x3c: {  	s10 =	spop (v2sf)  }
0x3d: {  	s6 =	sadd.f32 s6, s26;
	s29 =	spop (v2sf)  }
0x3e: {  	s7 =	smax.f32 s10, s29;
	s30 =	spop (v2sf)  }
0x3f: {  	s7 =	smax.f32 s7, s30;
	s31 =	spop (v2sf)  }
0x40: {  	s6 =	sadd.f32 s6, s28;
	s7 =	smax.f32 s7, s31  }
0x41: {  	v51 =	vmov s7  }
0x42: {  	s6 =	sadd.f32 s6, s9;
	v4 =	vsub.f32 v43, v51  }
0x43: {  	v5 =	vsub.f32 v5, v51  }
0x44: {  	v9 =	vmov s6;
	v6 =	vsub.f32 v6, v51;
	v4 =	vmul.f32 $1.442695020e+00, v4  }
0x45: {  	(erf) = vrcp.f32 v9;
	v7 =	vsub.f32 v7, v51;
	v5 =	vmul.f32 $1.442695020e+00, v5  }
0x46: {  	v52 =	vmul.f32 $1.442695020e+00, v6;
	(erf) = vpow2.f32 v4  }
0x47: {  	v53 =	vmul.f32 $1.442695020e+00, v7;
	(erf) = vpow2.f32 v5  }
0x48: {  	(erf) = vpow2.f32 v52  }
0x49: {  	(erf) = vpow2.f32 v53;
	_ =	sdelay $0x4  }
0x4a: {  	v54 =	vpop (erf)  }
0x4b: {  	v55 =	vpop (erf)  }
0x4c: {  	v56 =	vpop (erf);
	(xrf2) =	vadd.scan.msk.f32 $0xffff, v55  }
0x4d: {  	v57 =	vpop (erf);
	(xrf2) =	vadd.scan.msk.f32 $0xffff, v56  }
0x4e: {  	v58 =	vpop (erf);
	(xrf2) =	vadd.scan.msk.f32 $0xffff, v57  }
0x4f: {  	v59 =	vld [tilespmem:$0x100];
	(xrf2) =	vadd.scan.msk.f32 $0xffff, v58  }
0x50: {  	v10 =	vld [tilespmem:$0x110]  }
0x51: {  	v11 =	vld [tilespmem:$0x120]  }
0x52: {  	v12 =	vld [tilespmem:$0x130];
	_ =	sdelay $0x1  }
0x53: {  	(xrf0) =	vmax.scan.msk.f32 $0xffff, v59  }
0x54: {  	(xrf0) =	vmax.scan.msk.f32 $0xffff, v10  }
0x55: {  	(xrf0) =	vmax.scan.msk.f32 $0xffff, v11;
	v13, _, _ =	vpop (xrf2)  }
0x56: {  	(xrf0) =	vmax.scan.msk.f32 $0xffff, v12;
	(v2sf) =	vpush v13, $0xF;
	v60, _, _ =	vpop (xrf2)  }
0x57: {  	(v2sf) =	vpush v60, $0xF;
	v61, _, _ =	vpop (xrf2)  }
0x58: {  	(v2sf) =	vpush v61, $0xF;
	v62, _, _ =	vpop (xrf2)  }
0x59: {  	v63, _, _ =	vpop (xrf0);
	(v2sf) =	vpush v62, $0xF  }
0x5a: {  	v16, _, _ =	vpop (xrf0);
	(v2sf) =	vpush v63, $0xF  }
0x5b: {  	v17, _, _ =	vpop (xrf0);
	(v2sf) =	vpush v16, $0xF  }
0x5c: {  	v18, _, _ =	vpop (xrf0);
	(v2sf) =	vpush v17, $0xF  }
0x5d: {  	(v2sf) =	vpush v18, $0xF;
	_ =	sdelay $0x7  }
0x5e: {  	s10 =	spop (v2sf)  }
0x5f: {  	s11 =	spop (v2sf)  }
0x60: {  	s12 =	spop (v2sf)  }
0x61: {  	s6 =	sadd.f32 $0.0e+00, s10;
	s13 =	spop (v2sf)  }
0x62: {  	s14 =	spop (v2sf)  }
0x63: {  	s6 =	sadd.f32 s6, s11;
	s15 =	spop (v2sf)  }
0x64: {  	s7 =	smax.f32 s14, s15;
	s16 =	spop (v2sf)  }
0x65: {  	s7 =	smax.f32 s7, s16;
	s17 =	spop (v2sf)  }
0x66: {  	s6 =	sadd.f32 s6, s12;
	s7 =	smax.f32 s7, s17  }
0x67: {  	v19 =	vmov s7  }
0x68: {  	s6 =	sadd.f32 s6, s13;
	v9 =	vsub.f32 v59, v19  }
0x69: {  	v10 =	vsub.f32 v10, v19  }
0x6a: {  	v14 =	vmov s6;
	v11 =	vsub.f32 v11, v19;
	v9 =	vmul.f32 $1.442695020e+00, v9  }
0x6b: {  	(erf) = vrcp.f32 v14;
	v12 =	vsub.f32 v12, v19;
	v10 =	vmul.f32 $1.442695020e+00, v10  }
0x6c: {  	v20 =	vmul.f32 $1.442695020e+00, v11;
	(erf) = vpow2.f32 v9  }
0x6d: {  	v21 =	vmul.f32 $1.442695020e+00, v12;
	(erf) = vpow2.f32 v10  }
0x6e: {  	(erf) = vpow2.f32 v20  }
0x6f: {  	(erf) = vpow2.f32 v21;
	_ =	sdelay $0x4  }
0x70: {  	v22 =	vpop (erf)  }
0x71: {  	v23 =	vpop (erf)  }
0x72: {  	v24 =	vpop (erf);
	(xrf2) =	vadd.scan.msk.f32 $0xffff, v23  }
0x73: {  	v25 =	vpop (erf);
	(xrf2) =	vadd.scan.msk.f32 $0xffff, v24  }
0x74: {  	v26 =	vpop (erf);
	(xrf2) =	vadd.scan.msk.f32 $0xffff, v25  }
0x75: {  	v27 =	vld [tilespmem:$0x180];
	(xrf2) =	vadd.scan.msk.f32 $0xffff, v26  }
0x76: {  	v15 =	vld [tilespmem:$0x190]  }
0x77: {  	v16 =	vld [tilespmem:$0x1A0]  }
0x78: {  	v17 =	vld [tilespmem:$0x1B0];
	_ =	sdelay $0x1  }
0x79: {  	(xrf0) =	vmax.scan.msk.f32 $0xffff, v27  }
0x7a: {  	(xrf0) =	vmax.scan.msk.f32 $0xffff, v15  }
0x7b: {  	(xrf0) =	vmax.scan.msk.f32 $0xffff, v16;
	v18, _, _ =	vpop (xrf2)  }
0x7c: {  	(xrf0) =	vmax.scan.msk.f32 $0xffff, v17;
	(v2sf) =	vpush v18, $0xF;
	v28, _, _ =	vpop (xrf2)  }
0x7d: {  	(v2sf) =	vpush v28, $0xF;
	v29, _, _ =	vpop (xrf2)  }
0x7e: {  	(v2sf) =	vpush v29, $0xF;
	v30, _, _ =	vpop (xrf2)  }
0x7f: {  	v19, _, _ =	vpop (xrf0);
	(v2sf) =	vpush v30, $0xF  }
0x80: {  	v31, _, _ =	vpop (xrf0);
	(v2sf) =	vpush v19, $0xF  }
0x81: {  	v32, _, _ =	vpop (xrf0);
	(v2sf) =	vpush v31, $0xF  }
0x82: {  	v33, _, _ =	vpop (xrf0);
	(v2sf) =	vpush v32, $0xF  }
0x83: {  	(v2sf) =	vpush v33, $0xF;
	_ =	sdelay $0x7  }
0x84: {  	s18 =	spop (v2sf)  }
0x85: {  	s19 =	spop (v2sf)  }
0x86: {  	s20 =	spop (v2sf)  }
0x87: {  	s6 =	sadd.f32 $0.0e+00, s18;
	s21 =	spop (v2sf)  }
0x88: {  	s22 =	spop (v2sf)  }
0x89: {  	s6 =	sadd.f32 s6, s19;
	s23 =	spop (v2sf)  }
0x8a: {  	s7 =	smax.f32 s22, s23;
	s24 =	spop (v2sf)  }
0x8b: {  	s7 =	smax.f32 s7, s24;
	s25 =	spop (v2sf)  }
0x8c: {  	s6 =	sadd.f32 s6, s20;
	s7 =	smax.f32 s7, s25  }
0x8d: {  	v34 =	vmov s7  }
0x8e: {  	s6 =	sadd.f32 s6, s21;
	v14 =	vsub.f32 v27, v34;
	_ =	sdelay $0x1  }
0x8f: {  	v35 =	vmov s6;
	v15 =	vsub.f32 v15, v34;
	v14 =	vmul.f32 $1.442695020e+00, v14  }
0x90: {  	(erf) = vrcp.f32 v35  }
0x91: {  	v37 =	vsub.f32 v16, v34;
	v36 =	vmul.f32 $1.442695020e+00, v15;
	(erf) = vpow2.f32 v14;
	_ =	sdelay $0x1  }
0x92: {  	v39 =	vsub.f32 v17, v34;
	v38 =	vmul.f32 $1.442695020e+00, v37;
	(erf) = vpow2.f32 v36;
	_ =	sdelay $0x1  }
0x93: {  	v40 =	vmul.f32 $1.442695020e+00, v39;
	(erf) = vpow2.f32 v38;
	_ =	sdelay $0x1  }
0x94: {  	(erf) = vpow2.f32 v40;
	_ =	sdelay $0x1  }
0x95: {  	v41 =	vpop (erf)  }
0x96: {  	v42 =	vpop (erf)  }
0x97: {  	(xrf2) =	vadd.scan.msk.f32 $0xffff, v42  }
0x98: {  	v43 =	vpop (erf)  }
0x99: {  	(xrf2) =	vadd.scan.msk.f32 $0xffff, v43  }
0x9a: {  	v44 =	vpop (erf)  }
0x9b: {  	(xrf2) =	vadd.scan.msk.f32 $0xffff, v44  }
0x9c: {  	v45 =	vpop (erf)  }
0x9d: {  	(xrf2) =	vadd.scan.msk.f32 $0xffff, v45;
	_ =	sdelay $0x3  }
0x9e: {  	v46, _, _ =	vpop (xrf2)  }
0x9f: {  	(v2sf) =	vpush v46, $0xF  }
0xa0: {  	v47, _, _ =	vpop (xrf2)  }
0xa1: {  	(v2sf) =	vpush v47, $0xF  }
0xa2: {  	v48, _, _ =	vpop (xrf2)  }
0xa3: {  	(v2sf) =	vpush v48, $0xF  }
0xa4: {  	v49, _, _ =	vpop (xrf2)  }
0xa5: {  	(v2sf) =	vpush v49, $0xF;
	_ =	sdelay $0x8  }
0xa6: {  	s26 =	spop (v2sf)  }
0xa7: {  	s6 =	sadd.f32 $0.0e+00, s26  }
0xa8: {  	s28 =	spop (v2sf)  }
0xa9: {  	s6 =	sadd.f32 s6, s28  }
0xaa: {  	s29 =	spop (v2sf)  }
0xab: {  	s6 =	sadd.f32 s6, s29  }
0xac: {  	s30 =	spop (v2sf)  }
0xad: {  	s6 =	sadd.f32 s6, s30  }
0xae: {  	v2 =	vmul.f32 v54, v2  }
0xaf: {  	v3 =	vmul.f32 v54, v3;
	v50 =	vmov s6  }
0xb0: {  	v0 =	vmul.f32 v54, v0;
	[tilespmem:$0x200] =	vst v2;
	(erf) = vrcp.f32 v50  }
0xb1: {  	v1 =	vmul.f32 v54, v1;
	[tilespmem:$0x210] =	vst v3  }
0xb2: {  	[tilespmem:$0x220] =	vst v0;
	v51 =	vmul.f32 v22, v55  }
0xb3: {  	[tilespmem:$0x230] =	vst v1;
	v52 =	vmul.f32 v22, v56  }
0xb4: {  	v53 =	vmul.f32 v22, v57;
	[tilespmem:$0x280] =	vst v51  }
0xb5: {  	v54 =	vmul.f32 v22, v58;
	[tilespmem:$0x290] =	vst v52  }
0xb6: {  	[tilespmem:$0x2A0] =	vst v53;
	v55 =	vmul.f32 v41, v23  }
0xb7: {  	[tilespmem:$0x2B0] =	vst v54;
	v56 =	vmul.f32 v41, v24  }
0xb8: {  	v57 =	vmul.f32 v41, v25;
	[tilespmem:$0x300] =	vst v55  }
0xb9: {  	v58 =	vmul.f32 v41, v26;
	[tilespmem:$0x310] =	vst v56;
	v59 =	vpop (erf)  }
0xba: {  	[tilespmem:$0x320] =	vst v57;
	v60 =	vmul.f32 v59, v42  }
0xbb: {  	[tilespmem:$0x330] =	vst v58;
	v61 =	vmul.f32 v59, v43  }
0xbc: {  	v62 =	vmul.f32 v59, v44;
	[tilespmem:$0x380] =	vst v60  }
0xbd: {  	v63 =	vmul.f32 v59, v45;
	[tilespmem:$0x390] =	vst v61  }
0xbe: {  	[tilespmem:$0x3A0] =	vst v62  }
0xbf: {  	s2 =	sadd.s32 s2, s4;
	s31 =	simm.s32 $0x200;
	[tilespmem:$0x3B0] =	vst v63  }
0xc0: {  	[hbm4b:s2+s3] =	stream.linear.scatter [tilespmem:s31], [sflag:$0x1], $0x200, $0x38;
	[tilespmem:$0x400] =	vst v63  }
0xc1: {  	_ =	swait.ge [sflag:s5], $0x200  }
0xc2: {  	[sflag:s5] =	ssyncset.done $0x0  }
0xc3: {  	[sflag:s5] =	ssyncadd.s32 $0xFFFFFE00  }
0xc4: {  	_ =	sfence.sel $0x180000  }
0xc5: {  	[bflag:$0x0] =	sbarrier.arrive $0xFFFF  }
0xc6: {  	p0 =	sne.s32 s1, $0x0;
	_ =	strace $0x90000047  }
0xc7: {  	s0 =	sadd.s32 @!p0 $0x100000, s0;
	[bflag:$0x2] =	sbarrier.arrive $0xFFFF  }
0xc8: {  	[sflag:s0] =	ssyncadd.tile.s32 @!p0 $0x1;
	_ =	shalt  }
.Lfunc_end2:
_tile_overlayer_lowered:
.L_overlay_start_2:
0xc9: {  	(tag) =	ssettag $0x2  }
0xca: {  	s0 =	rddreg [dreg:$0x0];
	s2 =	stileid.u32  }
0xcb: {  	s1 =	rddreg [dreg:$0x1];
	p0 =	sne.s32 s2, $0x0  }
0xcc: {  	s3 =	rddreg [dreg:$0x2];
	[bflag:$0x3] =	sbarrier.arrive $0xFFFF;
	s2 =	simm.s32 @!p0 $0x1C01  }
0xcd: {  	[timem:s3], [sflag:s2] =	dma.local @!p0 [hbm:s0], s1  }
0xce: {  	s0 =	simm.s32 @!p0 $0x1  }
0xcf: {  	_ =	swait.ge @!p0 [sflag:s0], s1  }
0xd0: {  	s1 =	ssub.s32 @!p0 $0x0, s1;
	[sflag:s0] =	ssyncset.done @!p0 $0x0  }
0xd1: {  	[sflag:s0] =	ssyncadd.s32 @!p0 s1  }
0xd2: {  	[bflag:$0x3] =	sbarrier.arrive $0xFFFF  }
0xd3: {  	_ =	shalt  }

</sc_bundles>
